<compile_context>
chip_gen: v7x
topology: tpu7x:2x2x1
jax: 0.10.2.dev20260603
libtpu: 0.0.44.dev20260713+nightly
codegen_flags: <defaults>
</compile_context>

<pallas_src>
import functools

import jax
import jax.numpy as jnp
from jax import lax
from jax.experimental import pallas as pl
from jax.experimental.pallas import tpu as pltpu
from jax.experimental.pallas import tpu_sc as plsc

VOCAB = 32128
D_MODEL = 4096

_NC = 2
_NS = 16
_NW = _NC * _NS

_T = 77
_CHUNK = 8


def _emb_body(idx_hbm, table_hbm, out_hbm, idx_v, rows_v, g0, g1, g2, s0, s1, s2):
    wid = lax.axis_index("s") * _NC + lax.axis_index("c")
    row = wid // 2
    part = wid % 2
    t0 = part * 40
    base = row * _T + t0
    limit = 47 - part * 11

    gsems = (g0, g1, g2)
    ssems = (s0, s1, s2)

    lane = lax.iota(jnp.int32, 16)
    stages = []
    for k in range(3):
        pos = base + jnp.minimum(lane + 16 * k, limit)
        stages.append(
            pltpu.async_copy(idx_hbm.at[pos], idx_v.at[pl.ds(16 * k, 16)], gsems[k])
        )

    def gather(c, b):
        return pltpu.async_copy(
            table_hbm.at[idx_v.at[pl.ds(c * _CHUNK, _CHUNK)]],
            rows_v.at[b],
            gsems[b],
        )

    def scatter(c, b):
        return pltpu.async_copy(
            rows_v.at[b],
            out_hbm.at[pl.ds(t0 + c * _CHUNK, _CHUNK), row],
            ssems[b],
        )

    stages[0].wait()
    gathers = [gather(0, 0), gather(1, 1), None]
    stages[1].wait()
    gathers[2] = gather(2, 2)
    gathers[0].wait()
    scatters = [scatter(0, 0), None, None]
    stages[2].wait()
    gathers[1].wait()
    scatters[1] = scatter(1, 1)
    scatters[0].wait()
    gathers[0] = gather(3, 0)
    gathers[2].wait()
    scatters[2] = scatter(2, 2)
    scatters[1].wait()
    gathers[1] = gather(4, 1)
    gathers[0].wait()
    scatters[0] = scatter(3, 0)
    gathers[1].wait()

    @pl.when(part == 0)
    def _():
        s = pltpu.async_copy(
            rows_v.at[1],
            out_hbm.at[pl.ds(32, _CHUNK), row],
            ssems[1],
        )
        s.wait()

    @pl.when(part == 1)
    def _():
        s = pltpu.async_copy(
            rows_v.at[1, pl.ds(0, 5)],
            out_hbm.at[pl.ds(72, 5), row],
            ssems[1],
        )
        s.wait()

    scatters[0].wait()
    scatters[2].wait()


_mesh = plsc.VectorSubcoreMesh(core_axis_name="c", subcore_axis_name="s")

_emb_lookup = functools.partial(
    pl.kernel,
    mesh=_mesh,
    out_type=jax.ShapeDtypeStruct((_T, 16, D_MODEL), jnp.float32),
    scratch_types=[
        pltpu.VMEM((48,), jnp.int32),
        pltpu.VMEM((3, _CHUNK, D_MODEL), jnp.float32),
        pltpu.SemaphoreType.DMA,
        pltpu.SemaphoreType.DMA,
        pltpu.SemaphoreType.DMA,
        pltpu.SemaphoreType.DMA,
        pltpu.SemaphoreType.DMA,
        pltpu.SemaphoreType.DMA,
    ],
)(_emb_body)


@jax.jit
def kernel(test_input, emb_table):
    idx = test_input.reshape(-1).astype(jnp.int32)
    out_tb = _emb_lookup(idx, emb_table)
    return jnp.swapaxes(out_tb, 0, 1)

# --- scband reference (transcript-rebuilt; emitter-appended) ---
"""Pipeline reference for scband-t5-head-75703093559451 (READ-ONLY COPY).

The authoritative reference and input builder live on the scoring server;
editing this copy changes nothing except your own understanding.
"""

import jax, jax.numpy as jnp
import numpy as np

VOCAB = 32128
D_MODEL = 4096

def setup_inputs(seed: int = 0) -> dict:
    key = jax.random.key(seed)
    k1, k2 = jax.random.split(key)
    test_input = jax.random.randint(k1, (16, 77), 0, VOCAB, dtype=jnp.int64 if jax.config.jax_enable_x64 else jnp.int32)
    emb_table = jax.random.normal(k2, (VOCAB, D_MODEL), dtype=jnp.float32) * 0.02
    return {"test_input": test_input, "emb_table": emb_table}

def reference(test_input, emb_table):
    # T5Head.forward: nn.Embedding lookup -> table[idx]
    return jnp.take(emb_table, test_input, axis=0)

if __name__ == "__main__":
    import jax
    _d = setup_inputs()
    print(jax.jit(kernel)(*tuple(_d.values())))

</pallas_src>

<mosaic_0001>
#map = affine_map<(d0, d1) -> (0)>
#map1 = affine_map<(d0, d1) -> (0, 0)>
#map2 = affine_map<(d0, d1) -> (0, 0, 0)>
module attributes {stable_mosaic.version = 14 : i64} {
  func.func @_emb_body(%arg0: i32, %arg1: i32, %arg2: memref<1232xi32, #tpu.memory_space<hbm>>, %arg3: memref<32128x4096xf32, #tpu.memory_space<hbm>>, %arg4: memref<77x16x4096xf32, #tpu.memory_space<hbm>>, %arg5: memref<48xi32, #tpu.memory_space<vmem>>, %arg6: memref<3x8x4096xf32, #tpu.memory_space<vmem>>, %arg7: memref<!tpu.dma_semaphore, #tpu.memory_space<semaphore_mem>>, %arg8: memref<!tpu.dma_semaphore, #tpu.memory_space<semaphore_mem>>, %arg9: memref<!tpu.dma_semaphore, #tpu.memory_space<semaphore_mem>>, %arg10: memref<!tpu.dma_semaphore, #tpu.memory_space<semaphore_mem>>, %arg11: memref<!tpu.dma_semaphore, #tpu.memory_space<semaphore_mem>>, %arg12: memref<!tpu.dma_semaphore, #tpu.memory_space<semaphore_mem>>) attributes {dimension_semantics = [#tpu.dimension_semantics<core_parallel>, #tpu.dimension_semantics<subcore_parallel>], iteration_bounds = array<i64: 2, 16>, scalar_prefetch = 0 : i64, scratch_operands = 8 : i64, tpu.core_type = #tpu.core_type<sc_vector_subcore>, window_params = [{transform_indices = #map}, {transform_indices = #map1}, {transform_indices = #map2}]} {
    %mul3A = arith.constant 2 : i32
    %mul3A_0 = arith.muli %arg1, %mul3A : i32
    %add3A = arith.addi %mul3A_0, %arg0 : i32
    %jit3A = arith.constant 2 : i32
    %div3A = arith.divsi %add3A, %jit3A : i32
    %sign3A = arith.constant 0 : i32
    %sign3A_1 = arith.cmpi sgt, %add3A, %sign3A : i32
    %sign3A_2 = arith.extui %sign3A_1 : i1 to i32
    %sign3A_3 = arith.constant 0 : i32
    %sign3A_4 = arith.cmpi slt, %add3A, %sign3A_3 : i32
    %sign3A_5 = arith.extui %sign3A_4 : i1 to i32
    %sign3A_6 = arith.subi %sign3A_2, %sign3A_5 : i32
    %sign3A_7 = arith.constant 0 : i32
    %sign3A_8 = arith.cmpi sgt, %jit3A, %sign3A_7 : i32
    %sign3A_9 = arith.extui %sign3A_8 : i1 to i32
    %sign3A_10 = arith.constant 0 : i32
    %sign3A_11 = arith.cmpi slt, %jit3A, %sign3A_10 : i32
    %sign3A_12 = arith.extui %sign3A_11 : i1 to i32
    %sign3A_13 = arith.subi %sign3A_9, %sign3A_12 : i32
    %ne3A = arith.cmpi ne, %sign3A_6, %sign3A_13 : i32
    %rem3A = arith.remsi %add3A, %jit3A : i32
    %ne3A_14 = arith.constant 0 : i32
    %ne3A_15 = arith.cmpi ne, %rem3A, %ne3A_14 : i32
    %and3A = arith.andi %ne3A, %ne3A_15 : i1
    %sub3A = arith.constant 1 : i32
    %sub3A_16 = arith.subi %div3A, %sub3A : i32
    %select_n3A = arith.select %and3A, %sub3A_16, %div3A : i32
    %jit3A_17 = arith.constant 2 : i32
    %eq3A = arith.constant 0 : i32
    %eq3A_18 = arith.cmpi eq, %jit3A_17, %eq3A : i32
    %jit3A_19 = arith.constant 1 : i32
    %select_n3A_20 = arith.select %eq3A_18, %jit3A_19, %jit3A_17 : i32
    %rem3A_21 = arith.remsi %add3A, %select_n3A_20 : i32
    %ne3A_22 = arith.constant 0 : i32
    %ne3A_23 = arith.cmpi ne, %rem3A_21, %ne3A_22 : i32
    %lt3A = arith.constant 0 : i32
    %lt3A_24 = arith.cmpi slt, %rem3A_21, %lt3A : i32
    %lt3A_25 = arith.constant 0 : i32
    %lt3A_26 = arith.cmpi slt, %select_n3A_20, %lt3A_25 : i32
    %ne3A_27 = arith.xori %lt3A_24, %lt3A_26 : i1
    %and3A_28 = arith.andi %ne3A_27, %ne3A_23 : i1
    %add3A_29 = arith.addi %rem3A_21, %select_n3A_20 : i32
    %select_n3A_30 = arith.select %and3A_28, %add3A_29, %rem3A_21 : i32
    %mul3A_31 = arith.constant 40 : i32
    %mul3A_32 = arith.muli %select_n3A_30, %mul3A_31 : i32
    %mul3A_33 = arith.constant 77 : i32
    %mul3A_34 = arith.muli %select_n3A, %mul3A_33 : i32
    %add3A_35 = arith.addi %mul3A_34, %mul3A_32 : i32
    %mul3A_36 = arith.constant 11 : i32
    %mul3A_37 = arith.muli %select_n3A_30, %mul3A_36 : i32
    %sub3A_38 = arith.constant 47 : i32
    %sub3A_39 = arith.subi %sub3A_38, %mul3A_37 : i32
    %iota3A = tpu.iota {dimensions = array<i32: 0>} : vector<16xi32>
    %add3A_40 = arith.constant 0 : i32
    %add3A_41 = vector.broadcast %add3A_40 : i32 to vector<16xi32>
    %add3A_42 = arith.addi %iota3A, %add3A_41 : vector<16xi32>
    %min3A = vector.broadcast %sub3A_39 : i32 to vector<16xi32>
    %min3A_43 = arith.minsi %add3A_42, %min3A : vector<16xi32>
    %add3A_44 = vector.broadcast %add3A_35 : i32 to vector<16xi32>
    %add3A_45 = arith.addi %add3A_44, %min3A_43 : vector<16xi32>
    %dma_start3A = arith.constant 0 : i32
    %dma_start3A_46 = tpu.memref_slice %arg5[%dma_start3A] : memref<48xi32, #tpu.memory_space<vmem>> -> memref<16xi32, #tpu.memory_space<vmem>>
    %dma_start3A_47 = arith.constant 0 : i32
    %dma_start3A_48 = tpu.memref_slice %arg2[%dma_start3A_47] : memref<1232xi32, #tpu.memory_space<hbm>> -> memref<1232xi32, #tpu.memory_space<hbm>>
    tpu.enqueue_indirect_dma source(%dma_start3A_48 : memref<1232xi32, #tpu.memory_space<hbm>>) target(%dma_start3A_46 : memref<16xi32, #tpu.memory_space<vmem>>) offsets(%add3A_45 : vector<16xi32>) semaphore(%arg7 : memref<!tpu.dma_semaphore, #tpu.memory_space<semaphore_mem>>)
    %add3A_49 = arith.constant 16 : i32
    %add3A_50 = vector.broadcast %add3A_49 : i32 to vector<16xi32>
    %add3A_51 = arith.addi %iota3A, %add3A_50 : vector<16xi32>
    %min3A_52 = vector.broadcast %sub3A_39 : i32 to vector<16xi32>
    %min3A_53 = arith.minsi %add3A_51, %min3A_52 : vector<16xi32>
    %add3A_54 = vector.broadcast %add3A_35 : i32 to vector<16xi32>
    %add3A_55 = arith.addi %add3A_54, %min3A_53 : vector<16xi32>
    %dma_start3A_56 = arith.constant 16 : i32
    %dma_start3A_57 = tpu.memref_slice %arg5[%dma_start3A_56] : memref<48xi32, #tpu.memory_space<vmem>> -> memref<16xi32, #tpu.memory_space<vmem>>
    %dma_start3A_58 = arith.constant 0 : i32
    %dma_start3A_59 = tpu.memref_slice %arg2[%dma_start3A_58] : memref<1232xi32, #tpu.memory_space<hbm>> -> memref<1232xi32, #tpu.memory_space<hbm>>
    tpu.enqueue_indirect_dma source(%dma_start3A_59 : memref<1232xi32, #tpu.memory_space<hbm>>) target(%dma_start3A_57 : memref<16xi32, #tpu.memory_space<vmem>>) offsets(%add3A_55 : vector<16xi32>) semaphore(%arg8 : memref<!tpu.dma_semaphore, #tpu.memory_space<semaphore_mem>>)
    %add3A_60 = arith.constant 32 : i32
    %add3A_61 = vector.broadcast %add3A_60 : i32 to vector<16xi32>
    %add3A_62 = arith.addi %iota3A, %add3A_61 : vector<16xi32>
    %min3A_63 = vector.broadcast %sub3A_39 : i32 to vector<16xi32>
    %min3A_64 = arith.minsi %add3A_62, %min3A_63 : vector<16xi32>
    %add3A_65 = vector.broadcast %add3A_35 : i32 to vector<16xi32>
    %add3A_66 = arith.addi %add3A_65, %min3A_64 : vector<16xi32>
    %dma_start3A_67 = arith.constant 32 : i32
    %dma_start3A_68 = tpu.memref_slice %arg5[%dma_start3A_67] : memref<48xi32, #tpu.memory_space<vmem>> -> memref<16xi32, #tpu.memory_space<vmem>>
    %dma_start3A_69 = arith.constant 0 : i32
    %dma_start3A_70 = tpu.memref_slice %arg2[%dma_start3A_69] : memref<1232xi32, #tpu.memory_space<hbm>> -> memref<1232xi32, #tpu.memory_space<hbm>>
    tpu.enqueue_indirect_dma source(%dma_start3A_70 : memref<1232xi32, #tpu.memory_space<hbm>>) target(%dma_start3A_68 : memref<16xi32, #tpu.memory_space<vmem>>) offsets(%add3A_66 : vector<16xi32>) semaphore(%arg9 : memref<!tpu.dma_semaphore, #tpu.memory_space<semaphore_mem>>)
    %dma_wait3A = arith.constant 0 : i32
    %dma_wait3A_71 = tpu.memref_slice %arg5[%dma_wait3A] : memref<48xi32, #tpu.memory_space<vmem>> -> memref<16xi32, #tpu.memory_space<vmem>>
    %dma_wait3A_72 = arith.constant 0 : i32
    %dma_wait3A_73 = tpu.memref_slice %arg2[%dma_wait3A_72] : memref<1232xi32, #tpu.memory_space<hbm>> -> memref<1232xi32, #tpu.memory_space<hbm>>
    tpu.wait_indirect_dma semaphore(%arg7 : memref<!tpu.dma_semaphore, #tpu.memory_space<semaphore_mem>>) src(%dma_wait3A_73 : memref<1232xi32, #tpu.memory_space<hbm>>) dst(%dma_wait3A_71 : memref<16xi32, #tpu.memory_space<vmem>>)
    %dma_start3A_74 = arith.constant 0 : i32
    %dma_start3A_75 = arith.constant 0 : i32
    %dma_start3A_76 = arith.constant 0 : i32
    %dma_start3A_77 = tpu.memref_slice %arg6[%dma_start3A_74, %dma_start3A_75, %dma_start3A_76] : memref<3x8x4096xf32, #tpu.memory_space<vmem>> -> memref<1x8x4096xf32, #tpu.memory_space<vmem>>
    %dma_start3A_78 = tpu.memref_squeeze %dma_start3A_77 : memref<1x8x4096xf32, #tpu.memory_space<vmem>> -> memref<8x4096xf32, #tpu.memory_space<vmem>>
    %dma_start3A_79 = arith.constant 0 : i32
    %dma_start3A_80 = tpu.memref_slice %arg5[%dma_start3A_79] : memref<48xi32, #tpu.memory_space<vmem>> -> memref<8xi32, #tpu.memory_space<vmem>>
    %dma_start3A_81 = arith.constant 0 : i32
    %dma_start3A_82 = arith.constant 0 : i32
    %dma_start3A_83 = tpu.memref_slice %arg3[%dma_start3A_81, %dma_start3A_82] : memref<32128x4096xf32, #tpu.memory_space<hbm>> -> memref<32128x4096xf32, #tpu.memory_space<hbm>>
    tpu.enqueue_indirect_dma source(%dma_start3A_83 : memref<32128x4096xf32, #tpu.memory_space<hbm>>) target(%dma_start3A_78 : memref<8x4096xf32, #tpu.memory_space<vmem>>) offsets(%dma_start3A_80 : memref<8xi32, #tpu.memory_space<vmem>>) semaphore(%arg7 : memref<!tpu.dma_semaphore, #tpu.memory_space<semaphore_mem>>)
    %dma_start3A_84 = arith.constant 1 : i32
    %dma_start3A_85 = arith.constant 0 : i32
    %dma_start3A_86 = arith.constant 0 : i32
    %dma_start3A_87 = tpu.memref_slice %arg6[%dma_start3A_84, %dma_start3A_85, %dma_start3A_86] : memref<3x8x4096xf32, #tpu.memory_space<vmem>> -> memref<1x8x4096xf32, #tpu.memory_space<vmem>>
    %dma_start3A_88 = tpu.memref_squeeze %dma_start3A_87 : memref<1x8x4096xf32, #tpu.memory_space<vmem>> -> memref<8x4096xf32, #tpu.memory_space<vmem>>
    %dma_start3A_89 = arith.constant 8 : i32
    %dma_start3A_90 = tpu.memref_slice %arg5[%dma_start3A_89] : memref<48xi32, #tpu.memory_space<vmem>> -> memref<8xi32, #tpu.memory_space<vmem>>
    %dma_start3A_91 = arith.constant 0 : i32
    %dma_start3A_92 = arith.constant 0 : i32
    %dma_start3A_93 = tpu.memref_slice %arg3[%dma_start3A_91, %dma_start3A_92] : memref<32128x4096xf32, #tpu.memory_space<hbm>> -> memref<32128x4096xf32, #tpu.memory_space<hbm>>
    tpu.enqueue_indirect_dma source(%dma_start3A_93 : memref<32128x4096xf32, #tpu.memory_space<hbm>>) target(%dma_start3A_88 : memref<8x4096xf32, #tpu.memory_space<vmem>>) offsets(%dma_start3A_90 : memref<8xi32, #tpu.memory_space<vmem>>) semaphore(%arg8 : memref<!tpu.dma_semaphore, #tpu.memory_space<semaphore_mem>>)
    %dma_wait3A_94 = arith.constant 16 : i32
    %dma_wait3A_95 = tpu.memref_slice %arg5[%dma_wait3A_94] : memref<48xi32, #tpu.memory_space<vmem>> -> memref<16xi32, #tpu.memory_space<vmem>>
    %dma_wait3A_96 = arith.constant 0 : i32
    %dma_wait3A_97 = tpu.memref_slice %arg2[%dma_wait3A_96] : memref<1232xi32, #tpu.memory_space<hbm>> -> memref<1232xi32, #tpu.memory_space<hbm>>
    tpu.wait_indirect_dma semaphore(%arg8 : memref<!tpu.dma_semaphore, #tpu.memory_space<semaphore_mem>>) src(%dma_wait3A_97 : memref<1232xi32, #tpu.memory_space<hbm>>) dst(%dma_wait3A_95 : memref<16xi32, #tpu.memory_space<vmem>>)
    %dma_start3A_98 = arith.constant 2 : i32
    %dma_start3A_99 = arith.constant 0 : i32
    %dma_start3A_100 = arith.constant 0 : i32
    %dma_start3A_101 = tpu.memref_slice %arg6[%dma_start3A_98, %dma_start3A_99, %dma_start3A_100] : memref<3x8x4096xf32, #tpu.memory_space<vmem>> -> memref<1x8x4096xf32, #tpu.memory_space<vmem>>
    %dma_start3A_102 = tpu.memref_squeeze %dma_start3A_101 : memref<1x8x4096xf32, #tpu.memory_space<vmem>> -> memref<8x4096xf32, #tpu.memory_space<vmem>>
    %dma_start3A_103 = arith.constant 16 : i32
    %dma_start3A_104 = tpu.memref_slice %arg5[%dma_start3A_103] : memref<48xi32, #tpu.memory_space<vmem>> -> memref<8xi32, #tpu.memory_space<vmem>>
    %dma_start3A_105 = arith.constant 0 : i32
    %dma_start3A_106 = arith.constant 0 : i32
    %dma_start3A_107 = tpu.memref_slice %arg3[%dma_start3A_105, %dma_start3A_106] : memref<32128x4096xf32, #tpu.memory_space<hbm>> -> memref<32128x4096xf32, #tpu.memory_space<hbm>>
    tpu.enqueue_indirect_dma source(%dma_start3A_107 : memref<32128x4096xf32, #tpu.memory_space<hbm>>) target(%dma_start3A_102 : memref<8x4096xf32, #tpu.memory_space<vmem>>) offsets(%dma_start3A_104 : memref<8xi32, #tpu.memory_space<vmem>>) semaphore(%arg9 : memref<!tpu.dma_semaphore, #tpu.memory_space<semaphore_mem>>)
    %dma_wait3A_108 = arith.constant 0 : i32
    %dma_wait3A_109 = arith.constant 0 : i32
    %dma_wait3A_110 = arith.constant 0 : i32
    %dma_wait3A_111 = tpu.memref_slice %arg6[%dma_wait3A_108, %dma_wait3A_109, %dma_wait3A_110] : memref<3x8x4096xf32, #tpu.memory_space<vmem>> -> memref<1x8x4096xf32, #tpu.memory_space<vmem>>
    %dma_wait3A_112 = tpu.memref_squeeze %dma_wait3A_111 : memref<1x8x4096xf32, #tpu.memory_space<vmem>> -> memref<8x4096xf32, #tpu.memory_space<vmem>>
    %dma_wait3A_113 = arith.constant 0 : i32
    %dma_wait3A_114 = tpu.memref_slice %arg5[%dma_wait3A_113] : memref<48xi32, #tpu.memory_space<vmem>> -> memref<8xi32, #tpu.memory_space<vmem>>
    %dma_wait3A_115 = arith.constant 0 : i32
    %dma_wait3A_116 = arith.constant 0 : i32
    %dma_wait3A_117 = tpu.memref_slice %arg3[%dma_wait3A_115, %dma_wait3A_116] : memref<32128x4096xf32, #tpu.memory_space<hbm>> -> memref<32128x4096xf32, #tpu.memory_space<hbm>>
    tpu.wait_indirect_dma semaphore(%arg7 : memref<!tpu.dma_semaphore, #tpu.memory_space<semaphore_mem>>) src(%dma_wait3A_117 : memref<32128x4096xf32, #tpu.memory_space<hbm>>) dst(%dma_wait3A_112 : memref<8x4096xf32, #tpu.memory_space<vmem>>)
    %add3A_118 = arith.constant 0 : i32
    %add3A_119 = arith.addi %mul3A_32, %add3A_118 : i32
    %dma_start3A_120 = arith.constant 0 : i32
    %dma_start3A_121 = arith.constant 0 : i32
    %dma_start3A_122 = arith.constant 0 : i32
    %dma_start3A_123 = tpu.memref_slice %arg6[%dma_start3A_120, %dma_start3A_121, %dma_start3A_122] : memref<3x8x4096xf32, #tpu.memory_space<vmem>> -> memref<1x8x4096xf32, #tpu.memory_space<vmem>>
    %dma_start3A_124 = tpu.memref_squeeze %dma_start3A_123 : memref<1x8x4096xf32, #tpu.memory_space<vmem>> -> memref<8x4096xf32, #tpu.memory_space<vmem>>
    %dma_start3A_125 = arith.constant 0 : i32
    %dma_start3A_126 = tpu.memref_slice %arg4[%add3A_119, %select_n3A, %dma_start3A_125] : memref<77x16x4096xf32, #tpu.memory_space<hbm>> -> memref<8x1x4096xf32, #tpu.memory_space<hbm>>
    %dma_start3A_127 = tpu.memref_squeeze %dma_start3A_126 : memref<8x1x4096xf32, #tpu.memory_space<hbm>> -> memref<8x4096xf32, #tpu.memory_space<hbm>>
    %dma_start3A_128 = arith.constant 0 : i32
    %dma_start3A_129 = tpu.memref_slice %arg4[%add3A_119, %select_n3A, %dma_start3A_128] : memref<77x16x4096xf32, #tpu.memory_space<hbm>> -> memref<8x1x4096xf32, #tpu.memory_space<hbm>>
    %dma_start3A_130 = tpu.memref_squeeze %dma_start3A_129 : memref<8x1x4096xf32, #tpu.memory_space<hbm>> -> memref<8x4096xf32, #tpu.memory_space<hbm>>
    %dma_start3A_131 = arith.constant 0 : i32
    %dma_start3A_132 = arith.constant 0 : i32
    %dma_start3A_133 = tpu.memref_slice %arg6[%dma_start3A_120, %dma_start3A_131, %dma_start3A_132] : memref<3x8x4096xf32, #tpu.memory_space<vmem>> -> memref<1x8x4096xf32, #tpu.memory_space<vmem>>
    %dma_start3A_134 = tpu.memref_squeeze %dma_start3A_133 : memref<1x8x4096xf32, #tpu.memory_space<vmem>> -> memref<8x4096xf32, #tpu.memory_space<vmem>>
    tpu.enqueue_dma source(%dma_start3A_134 : memref<8x4096xf32, #tpu.memory_space<vmem>>) target(%dma_start3A_130 : memref<8x4096xf32, #tpu.memory_space<hbm>>) target_semaphore(%arg10 : memref<!tpu.dma_semaphore, #tpu.memory_space<semaphore_mem>>)
    %dma_wait3A_135 = arith.constant 32 : i32
    %dma_wait3A_136 = tpu.memref_slice %arg5[%dma_wait3A_135] : memref<48xi32, #tpu.memory_space<vmem>> -> memref<16xi32, #tpu.memory_space<vmem>>
    %dma_wait3A_137 = arith.constant 0 : i32
    %dma_wait3A_138 = tpu.memref_slice %arg2[%dma_wait3A_137] : memref<1232xi32, #tpu.memory_space<hbm>> -> memref<1232xi32, #tpu.memory_space<hbm>>
    tpu.wait_indirect_dma semaphore(%arg9 : memref<!tpu.dma_semaphore, #tpu.memory_space<semaphore_mem>>) src(%dma_wait3A_138 : memref<1232xi32, #tpu.memory_space<hbm>>) dst(%dma_wait3A_136 : memref<16xi32, #tpu.memory_space<vmem>>)
    %dma_wait3A_139 = arith.constant 1 : i32
    %dma_wait3A_140 = arith.constant 0 : i32
    %dma_wait3A_141 = arith.constant 0 : i32
    %dma_wait3A_142 = tpu.memref_slice %arg6[%dma_wait3A_139, %dma_wait3A_140, %dma_wait3A_141] : memref<3x8x4096xf32, #tpu.memory_space<vmem>> -> memref<1x8x4096xf32, #tpu.memory_space<vmem>>
    %dma_wait3A_143 = tpu.memref_squeeze %dma_wait3A_142 : memref<1x8x4096xf32, #tpu.memory_space<vmem>> -> memref<8x4096xf32, #tpu.memory_space<vmem>>
    %dma_wait3A_144 = arith.constant 8 : i32
    %dma_wait3A_145 = tpu.memref_slice %arg5[%dma_wait3A_144] : memref<48xi32, #tpu.memory_space<vmem>> -> memref<8xi32, #tpu.memory_space<vmem>>
    %dma_wait3A_146 = arith.constant 0 : i32
    %dma_wait3A_147 = arith.constant 0 : i32
    %dma_wait3A_148 = tpu.memref_slice %arg3[%dma_wait3A_146, %dma_wait3A_147] : memref<32128x4096xf32, #tpu.memory_space<hbm>> -> memref<32128x4096xf32, #tpu.memory_space<hbm>>
    tpu.wait_indirect_dma semaphore(%arg8 : memref<!tpu.dma_semaphore, #tpu.memory_space<semaphore_mem>>) src(%dma_wait3A_148 : memref<32128x4096xf32, #tpu.memory_space<hbm>>) dst(%dma_wait3A_143 : memref<8x4096xf32, #tpu.memory_space<vmem>>)
    %add3A_149 = arith.constant 8 : i32
    %add3A_150 = arith.addi %mul3A_32, %add3A_149 : i32
    %dma_start3A_151 = arith.constant 1 : i32
    %dma_start3A_152 = arith.constant 0 : i32
    %dma_start3A_153 = arith.constant 0 : i32
    %dma_start3A_154 = tpu.memref_slice %arg6[%dma_start3A_151, %dma_start3A_152, %dma_start3A_153] : memref<3x8x4096xf32, #tpu.memory_space<vmem>> -> memref<1x8x4096xf32, #tpu.memory_space<vmem>>
    %dma_start3A_155 = tpu.memref_squeeze %dma_start3A_154 : memref<1x8x4096xf32, #tpu.memory_space<vmem>> -> memref<8x4096xf32, #tpu.memory_space<vmem>>
    %dma_start3A_156 = arith.constant 0 : i32
    %dma_start3A_157 = tpu.memref_slice %arg4[%add3A_150, %select_n3A, %dma_start3A_156] : memref<77x16x4096xf32, #tpu.memory_space<hbm>> -> memref<8x1x4096xf32, #tpu.memory_space<hbm>>
    %dma_start3A_158 = tpu.memref_squeeze %dma_start3A_157 : memref<8x1x4096xf32, #tpu.memory_space<hbm>> -> memref<8x4096xf32, #tpu.memory_space<hbm>>
    %dma_start3A_159 = arith.constant 0 : i32
    %dma_start3A_160 = tpu.memref_slice %arg4[%add3A_150, %select_n3A, %dma_start3A_159] : memref<77x16x4096xf32, #tpu.memory_space<hbm>> -> memref<8x1x4096xf32, #tpu.memory_space<hbm>>
    %dma_start3A_161 = tpu.memref_squeeze %dma_start3A_160 : memref<8x1x4096xf32, #tpu.memory_space<hbm>> -> memref<8x4096xf32, #tpu.memory_space<hbm>>
    %dma_start3A_162 = arith.constant 0 : i32
    %dma_start3A_163 = arith.constant 0 : i32
    %dma_start3A_164 = tpu.memref_slice %arg6[%dma_start3A_151, %dma_start3A_162, %dma_start3A_163] : memref<3x8x4096xf32, #tpu.memory_space<vmem>> -> memref<1x8x4096xf32, #tpu.memory_space<vmem>>
    %dma_start3A_165 = tpu.memref_squeeze %dma_start3A_164 : memref<1x8x4096xf32, #tpu.memory_space<vmem>> -> memref<8x4096xf32, #tpu.memory_space<vmem>>
    tpu.enqueue_dma source(%dma_start3A_165 : memref<8x4096xf32, #tpu.memory_space<vmem>>) target(%dma_start3A_161 : memref<8x4096xf32, #tpu.memory_space<hbm>>) target_semaphore(%arg11 : memref<!tpu.dma_semaphore, #tpu.memory_space<semaphore_mem>>)
    %dma_wait3A_166 = arith.constant 0 : i32
    %dma_wait3A_167 = arith.constant 0 : i32
    %dma_wait3A_168 = arith.constant 0 : i32
    %dma_wait3A_169 = tpu.memref_slice %arg6[%dma_wait3A_166, %dma_wait3A_167, %dma_wait3A_168] : memref<3x8x4096xf32, #tpu.memory_space<vmem>> -> memref<1x8x4096xf32, #tpu.memory_space<vmem>>
    %dma_wait3A_170 = tpu.memref_squeeze %dma_wait3A_169 : memref<1x8x4096xf32, #tpu.memory_space<vmem>> -> memref<8x4096xf32, #tpu.memory_space<vmem>>
    %dma_wait3A_171 = arith.constant 0 : i32
    %dma_wait3A_172 = tpu.memref_slice %arg4[%add3A_119, %select_n3A, %dma_wait3A_171] : memref<77x16x4096xf32, #tpu.memory_space<hbm>> -> memref<8x1x4096xf32, #tpu.memory_space<hbm>>
    %dma_wait3A_173 = tpu.memref_squeeze %dma_wait3A_172 : memref<8x1x4096xf32, #tpu.memory_space<hbm>> -> memref<8x4096xf32, #tpu.memory_space<hbm>>
    %dma_wait3A_174 = arith.constant 0 : i32
    %dma_wait3A_175 = tpu.memref_slice %arg4[%add3A_119, %select_n3A, %dma_wait3A_174] : memref<77x16x4096xf32, #tpu.memory_space<hbm>> -> memref<8x1x4096xf32, #tpu.memory_space<hbm>>
    %dma_wait3A_176 = tpu.memref_squeeze %dma_wait3A_175 : memref<8x1x4096xf32, #tpu.memory_space<hbm>> -> memref<8x4096xf32, #tpu.memory_space<hbm>>
    %dma_wait3A_177 = arith.constant 0 : i32
    %dma_wait3A_178 = arith.constant 0 : i32
    %dma_wait3A_179 = tpu.memref_slice %arg6[%dma_wait3A_166, %dma_wait3A_177, %dma_wait3A_178] : memref<3x8x4096xf32, #tpu.memory_space<vmem>> -> memref<1x8x4096xf32, #tpu.memory_space<vmem>>
    %dma_wait3A_180 = tpu.memref_squeeze %dma_wait3A_179 : memref<1x8x4096xf32, #tpu.memory_space<vmem>> -> memref<8x4096xf32, #tpu.memory_space<vmem>>
    tpu.wait_dma2 semaphore(%arg10 : memref<!tpu.dma_semaphore, #tpu.memory_space<semaphore_mem>>) src(%dma_wait3A_180 : memref<8x4096xf32, #tpu.memory_space<vmem>>) dst(%dma_wait3A_176 : memref<8x4096xf32, #tpu.memory_space<hbm>>)
    %dma_start3A_181 = arith.constant 0 : i32
    %dma_start3A_182 = arith.constant 0 : i32
    %dma_start3A_183 = arith.constant 0 : i32
    %dma_start3A_184 = tpu.memref_slice %arg6[%dma_start3A_181, %dma_start3A_182, %dma_start3A_183] : memref<3x8x4096xf32, #tpu.memory_space<vmem>> -> memref<1x8x4096xf32, #tpu.memory_space<vmem>>
    %dma_start3A_185 = tpu.memref_squeeze %dma_start3A_184 : memref<1x8x4096xf32, #tpu.memory_space<vmem>> -> memref<8x4096xf32, #tpu.memory_space<vmem>>
    %dma_start3A_186 = arith.constant 24 : i32
    %dma_start3A_187 = tpu.memref_slice %arg5[%dma_start3A_186] : memref<48xi32, #tpu.memory_space<vmem>> -> memref<8xi32, #tpu.memory_space<vmem>>
    %dma_start3A_188 = arith.constant 0 : i32
    %dma_start3A_189 = arith.constant 0 : i32
    %dma_start3A_190 = tpu.memref_slice %arg3[%dma_start3A_188, %dma_start3A_189] : memref<32128x4096xf32, #tpu.memory_space<hbm>> -> memref<32128x4096xf32, #tpu.memory_space<hbm>>
    tpu.enqueue_indirect_dma source(%dma_start3A_190 : memref<32128x4096xf32, #tpu.memory_space<hbm>>) target(%dma_start3A_185 : memref<8x4096xf32, #tpu.memory_space<vmem>>) offsets(%dma_start3A_187 : memref<8xi32, #tpu.memory_space<vmem>>) semaphore(%arg7 : memref<!tpu.dma_semaphore, #tpu.memory_space<semaphore_mem>>)
    %dma_wait3A_191 = arith.constant 2 : i32
    %dma_wait3A_192 = arith.constant 0 : i32
    %dma_wait3A_193 = arith.constant 0 : i32
    %dma_wait3A_194 = tpu.memref_slice %arg6[%dma_wait3A_191, %dma_wait3A_192, %dma_wait3A_193] : memref<3x8x4096xf32, #tpu.memory_space<vmem>> -> memref<1x8x4096xf32, #tpu.memory_space<vmem>>
    %dma_wait3A_195 = tpu.memref_squeeze %dma_wait3A_194 : memref<1x8x4096xf32, #tpu.memory_space<vmem>> -> memref<8x4096xf32, #tpu.memory_space<vmem>>
    %dma_wait3A_196 = arith.constant 16 : i32
    %dma_wait3A_197 = tpu.memref_slice %arg5[%dma_wait3A_196] : memref<48xi32, #tpu.memory_space<vmem>> -> memref<8xi32, #tpu.memory_space<vmem>>
    %dma_wait3A_198 = arith.constant 0 : i32
    %dma_wait3A_199 = arith.constant 0 : i32
    %dma_wait3A_200 = tpu.memref_slice %arg3[%dma_wait3A_198, %dma_wait3A_199] : memref<32128x4096xf32, #tpu.memory_space<hbm>> -> memref<32128x4096xf32, #tpu.memory_space<hbm>>
    tpu.wait_indirect_dma semaphore(%arg9 : memref<!tpu.dma_semaphore, #tpu.memory_space<semaphore_mem>>) src(%dma_wait3A_200 : memref<32128x4096xf32, #tpu.memory_space<hbm>>) dst(%dma_wait3A_195 : memref<8x4096xf32, #tpu.memory_space<vmem>>)
    %add3A_201 = arith.constant 16 : i32
    %add3A_202 = arith.addi %mul3A_32, %add3A_201 : i32
    %dma_start3A_203 = arith.constant 2 : i32
    %dma_start3A_204 = arith.constant 0 : i32
    %dma_start3A_205 = arith.constant 0 : i32
    %dma_start3A_206 = tpu.memref_slice %arg6[%dma_start3A_203, %dma_start3A_204, %dma_start3A_205] : memref<3x8x4096xf32, #tpu.memory_space<vmem>> -> memref<1x8x4096xf32, #tpu.memory_space<vmem>>
    %dma_start3A_207 = tpu.memref_squeeze %dma_start3A_206 : memref<1x8x4096xf32, #tpu.memory_space<vmem>> -> memref<8x4096xf32, #tpu.memory_space<vmem>>
    %dma_start3A_208 = arith.constant 0 : i32
    %dma_start3A_209 = tpu.memref_slice %arg4[%add3A_202, %select_n3A, %dma_start3A_208] : memref<77x16x4096xf32, #tpu.memory_space<hbm>> -> memref<8x1x4096xf32, #tpu.memory_space<hbm>>
    %dma_start3A_210 = tpu.memref_squeeze %dma_start3A_209 : memref<8x1x4096xf32, #tpu.memory_space<hbm>> -> memref<8x4096xf32, #tpu.memory_space<hbm>>
    %dma_start3A_211 = arith.constant 0 : i32
    %dma_start3A_212 = tpu.memref_slice %arg4[%add3A_202, %select_n3A, %dma_start3A_211] : memref<77x16x4096xf32, #tpu.memory_space<hbm>> -> memref<8x1x4096xf32, #tpu.memory_space<hbm>>
    %dma_start3A_213 = tpu.memref_squeeze %dma_start3A_212 : memref<8x1x4096xf32, #tpu.memory_space<hbm>> -> memref<8x4096xf32, #tpu.memory_space<hbm>>
    %dma_start3A_214 = arith.constant 0 : i32
    %dma_start3A_215 = arith.constant 0 : i32
    %dma_start3A_216 = tpu.memref_slice %arg6[%dma_start3A_203, %dma_start3A_214, %dma_start3A_215] : memref<3x8x4096xf32, #tpu.memory_space<vmem>> -> memref<1x8x4096xf32, #tpu.memory_space<vmem>>
    %dma_start3A_217 = tpu.memref_squeeze %dma_start3A_216 : memref<1x8x4096xf32, #tpu.memory_space<vmem>> -> memref<8x4096xf32, #tpu.memory_space<vmem>>
    tpu.enqueue_dma source(%dma_start3A_217 : memref<8x4096xf32, #tpu.memory_space<vmem>>) target(%dma_start3A_213 : memref<8x4096xf32, #tpu.memory_space<hbm>>) target_semaphore(%arg12 : memref<!tpu.dma_semaphore, #tpu.memory_space<semaphore_mem>>)
    %dma_wait3A_218 = arith.constant 1 : i32
    %dma_wait3A_219 = arith.constant 0 : i32
    %dma_wait3A_220 = arith.constant 0 : i32
    %dma_wait3A_221 = tpu.memref_slice %arg6[%dma_wait3A_218, %dma_wait3A_219, %dma_wait3A_220] : memref<3x8x4096xf32, #tpu.memory_space<vmem>> -> memref<1x8x4096xf32, #tpu.memory_space<vmem>>
    %dma_wait3A_222 = tpu.memref_squeeze %dma_wait3A_221 : memref<1x8x4096xf32, #tpu.memory_space<vmem>> -> memref<8x4096xf32, #tpu.memory_space<vmem>>
    %dma_wait3A_223 = arith.constant 0 : i32
    %dma_wait3A_224 = tpu.memref_slice %arg4[%add3A_150, %select_n3A, %dma_wait3A_223] : memref<77x16x4096xf32, #tpu.memory_space<hbm>> -> memref<8x1x4096xf32, #tpu.memory_space<hbm>>
    %dma_wait3A_225 = tpu.memref_squeeze %dma_wait3A_224 : memref<8x1x4096xf32, #tpu.memory_space<hbm>> -> memref<8x4096xf32, #tpu.memory_space<hbm>>
    %dma_wait3A_226 = arith.constant 0 : i32
    %dma_wait3A_227 = tpu.memref_slice %arg4[%add3A_150, %select_n3A, %dma_wait3A_226] : memref<77x16x4096xf32, #tpu.memory_space<hbm>> -> memref<8x1x4096xf32, #tpu.memory_space<hbm>>
    %dma_wait3A_228 = tpu.memref_squeeze %dma_wait3A_227 : memref<8x1x4096xf32, #tpu.memory_space<hbm>> -> memref<8x4096xf32, #tpu.memory_space<hbm>>
    %dma_wait3A_229 = arith.constant 0 : i32
    %dma_wait3A_230 = arith.constant 0 : i32
    %dma_wait3A_231 = tpu.memref_slice %arg6[%dma_wait3A_218, %dma_wait3A_229, %dma_wait3A_230] : memref<3x8x4096xf32, #tpu.memory_space<vmem>> -> memref<1x8x4096xf32, #tpu.memory_space<vmem>>
    %dma_wait3A_232 = tpu.memref_squeeze %dma_wait3A_231 : memref<1x8x4096xf32, #tpu.memory_space<vmem>> -> memref<8x4096xf32, #tpu.memory_space<vmem>>
    tpu.wait_dma2 semaphore(%arg11 : memref<!tpu.dma_semaphore, #tpu.memory_space<semaphore_mem>>) src(%dma_wait3A_232 : memref<8x4096xf32, #tpu.memory_space<vmem>>) dst(%dma_wait3A_228 : memref<8x4096xf32, #tpu.memory_space<hbm>>)
    %dma_start3A_233 = arith.constant 1 : i32
    %dma_start3A_234 = arith.constant 0 : i32
    %dma_start3A_235 = arith.constant 0 : i32
    %dma_start3A_236 = tpu.memref_slice %arg6[%dma_start3A_233, %dma_start3A_234, %dma_start3A_235] : memref<3x8x4096xf32, #tpu.memory_space<vmem>> -> memref<1x8x4096xf32, #tpu.memory_space<vmem>>
    %dma_start3A_237 = tpu.memref_squeeze %dma_start3A_236 : memref<1x8x4096xf32, #tpu.memory_space<vmem>> -> memref<8x4096xf32, #tpu.memory_space<vmem>>
    %dma_start3A_238 = arith.constant 32 : i32
    %dma_start3A_239 = tpu.memref_slice %arg5[%dma_start3A_238] : memref<48xi32, #tpu.memory_space<vmem>> -> memref<8xi32, #tpu.memory_space<vmem>>
    %dma_start3A_240 = arith.constant 0 : i32
    %dma_start3A_241 = arith.constant 0 : i32
    %dma_start3A_242 = tpu.memref_slice %arg3[%dma_start3A_240, %dma_start3A_241] : memref<32128x4096xf32, #tpu.memory_space<hbm>> -> memref<32128x4096xf32, #tpu.memory_space<hbm>>
    tpu.enqueue_indirect_dma source(%dma_start3A_242 : memref<32128x4096xf32, #tpu.memory_space<hbm>>) target(%dma_start3A_237 : memref<8x4096xf32, #tpu.memory_space<vmem>>) offsets(%dma_start3A_239 : memref<8xi32, #tpu.memory_space<vmem>>) semaphore(%arg8 : memref<!tpu.dma_semaphore, #tpu.memory_space<semaphore_mem>>)
    %dma_wait3A_243 = arith.constant 0 : i32
    %dma_wait3A_244 = arith.constant 0 : i32
    %dma_wait3A_245 = arith.constant 0 : i32
    %dma_wait3A_246 = tpu.memref_slice %arg6[%dma_wait3A_243, %dma_wait3A_244, %dma_wait3A_245] : memref<3x8x4096xf32, #tpu.memory_space<vmem>> -> memref<1x8x4096xf32, #tpu.memory_space<vmem>>
    %dma_wait3A_247 = tpu.memref_squeeze %dma_wait3A_246 : memref<1x8x4096xf32, #tpu.memory_space<vmem>> -> memref<8x4096xf32, #tpu.memory_space<vmem>>
    %dma_wait3A_248 = arith.constant 24 : i32
    %dma_wait3A_249 = tpu.memref_slice %arg5[%dma_wait3A_248] : memref<48xi32, #tpu.memory_space<vmem>> -> memref<8xi32, #tpu.memory_space<vmem>>
    %dma_wait3A_250 = arith.constant 0 : i32
    %dma_wait3A_251 = arith.constant 0 : i32
    %dma_wait3A_252 = tpu.memref_slice %arg3[%dma_wait3A_250, %dma_wait3A_251] : memref<32128x4096xf32, #tpu.memory_space<hbm>> -> memref<32128x4096xf32, #tpu.memory_space<hbm>>
    tpu.wait_indirect_dma semaphore(%arg7 : memref<!tpu.dma_semaphore, #tpu.memory_space<semaphore_mem>>) src(%dma_wait3A_252 : memref<32128x4096xf32, #tpu.memory_space<hbm>>) dst(%dma_wait3A_247 : memref<8x4096xf32, #tpu.memory_space<vmem>>)
    %add3A_253 = arith.constant 24 : i32
    %add3A_254 = arith.addi %mul3A_32, %add3A_253 : i32
    %dma_start3A_255 = arith.constant 0 : i32
    %dma_start3A_256 = arith.constant 0 : i32
    %dma_start3A_257 = arith.constant 0 : i32
    %dma_start3A_258 = tpu.memref_slice %arg6[%dma_start3A_255, %dma_start3A_256, %dma_start3A_257] : memref<3x8x4096xf32, #tpu.memory_space<vmem>> -> memref<1x8x4096xf32, #tpu.memory_space<vmem>>
    %dma_start3A_259 = tpu.memref_squeeze %dma_start3A_258 : memref<1x8x4096xf32, #tpu.memory_space<vmem>> -> memref<8x4096xf32, #tpu.memory_space<vmem>>
    %dma_start3A_260 = arith.constant 0 : i32
    %dma_start3A_261 = tpu.memref_slice %arg4[%add3A_254, %select_n3A, %dma_start3A_260] : memref<77x16x4096xf32, #tpu.memory_space<hbm>> -> memref<8x1x4096xf32, #tpu.memory_space<hbm>>
    %dma_start3A_262 = tpu.memref_squeeze %dma_start3A_261 : memref<8x1x4096xf32, #tpu.memory_space<hbm>> -> memref<8x4096xf32, #tpu.memory_space<hbm>>
    %dma_start3A_263 = arith.constant 0 : i32
    %dma_start3A_264 = tpu.memref_slice %arg4[%add3A_254, %select_n3A, %dma_start3A_263] : memref<77x16x4096xf32, #tpu.memory_space<hbm>> -> memref<8x1x4096xf32, #tpu.memory_space<hbm>>
    %dma_start3A_265 = tpu.memref_squeeze %dma_start3A_264 : memref<8x1x4096xf32, #tpu.memory_space<hbm>> -> memref<8x4096xf32, #tpu.memory_space<hbm>>
    %dma_start3A_266 = arith.constant 0 : i32
    %dma_start3A_267 = arith.constant 0 : i32
    %dma_start3A_268 = tpu.memref_slice %arg6[%dma_start3A_255, %dma_start3A_266, %dma_start3A_267] : memref<3x8x4096xf32, #tpu.memory_space<vmem>> -> memref<1x8x4096xf32, #tpu.memory_space<vmem>>
    %dma_start3A_269 = tpu.memref_squeeze %dma_start3A_268 : memref<1x8x4096xf32, #tpu.memory_space<vmem>> -> memref<8x4096xf32, #tpu.memory_space<vmem>>
    tpu.enqueue_dma source(%dma_start3A_269 : memref<8x4096xf32, #tpu.memory_space<vmem>>) target(%dma_start3A_265 : memref<8x4096xf32, #tpu.memory_space<hbm>>) target_semaphore(%arg10 : memref<!tpu.dma_semaphore, #tpu.memory_space<semaphore_mem>>)
    %dma_wait3A_270 = arith.constant 1 : i32
    %dma_wait3A_271 = arith.constant 0 : i32
    %dma_wait3A_272 = arith.constant 0 : i32
    %dma_wait3A_273 = tpu.memref_slice %arg6[%dma_wait3A_270, %dma_wait3A_271, %dma_wait3A_272] : memref<3x8x4096xf32, #tpu.memory_space<vmem>> -> memref<1x8x4096xf32, #tpu.memory_space<vmem>>
    %dma_wait3A_274 = tpu.memref_squeeze %dma_wait3A_273 : memref<1x8x4096xf32, #tpu.memory_space<vmem>> -> memref<8x4096xf32, #tpu.memory_space<vmem>>
    %dma_wait3A_275 = arith.constant 32 : i32
    %dma_wait3A_276 = tpu.memref_slice %arg5[%dma_wait3A_275] : memref<48xi32, #tpu.memory_space<vmem>> -> memref<8xi32, #tpu.memory_space<vmem>>
    %dma_wait3A_277 = arith.constant 0 : i32
    %dma_wait3A_278 = arith.constant 0 : i32
    %dma_wait3A_279 = tpu.memref_slice %arg3[%dma_wait3A_277, %dma_wait3A_278] : memref<32128x4096xf32, #tpu.memory_space<hbm>> -> memref<32128x4096xf32, #tpu.memory_space<hbm>>
    tpu.wait_indirect_dma semaphore(%arg8 : memref<!tpu.dma_semaphore, #tpu.memory_space<semaphore_mem>>) src(%dma_wait3A_279 : memref<32128x4096xf32, #tpu.memory_space<hbm>>) dst(%dma_wait3A_274 : memref<8x4096xf32, #tpu.memory_space<vmem>>)
    %eq3A_280 = arith.constant 0 : i32
    %eq3A_281 = arith.cmpi eq, %select_n3A_30, %eq3A_280 : i32
    %convert_element_type3A = arith.extui %eq3A_281 : i1 to i32
    %cond3A = arith.constant 0 : i32
    %cond3A_282 = arith.cmpi ne, %convert_element_type3A, %cond3A : i32
    scf.if %cond3A_282 {
      %dma_start3A_318 = arith.constant 1 : i32
      %dma_start3A_319 = arith.constant 0 : i32
      %dma_start3A_320 = arith.constant 0 : i32
      %dma_start3A_321 = tpu.memref_slice %arg6[%dma_start3A_318, %dma_start3A_319, %dma_start3A_320] : memref<3x8x4096xf32, #tpu.memory_space<vmem>> -> memref<1x8x4096xf32, #tpu.memory_space<vmem>>
      %dma_start3A_322 = tpu.memref_squeeze %dma_start3A_321 : memref<1x8x4096xf32, #tpu.memory_space<vmem>> -> memref<8x4096xf32, #tpu.memory_space<vmem>>
      %dma_start3A_323 = arith.constant 32 : i32
      %dma_start3A_324 = arith.constant 0 : i32
      %dma_start3A_325 = tpu.memref_slice %arg4[%dma_start3A_323, %select_n3A, %dma_start3A_324] : memref<77x16x4096xf32, #tpu.memory_space<hbm>> -> memref<8x1x4096xf32, #tpu.memory_space<hbm>>
      %dma_start3A_326 = tpu.memref_squeeze %dma_start3A_325 : memref<8x1x4096xf32, #tpu.memory_space<hbm>> -> memref<8x4096xf32, #tpu.memory_space<hbm>>
      %dma_start3A_327 = arith.constant 32 : i32
      %dma_start3A_328 = arith.constant 0 : i32
      %dma_start3A_329 = tpu.memref_slice %arg4[%dma_start3A_327, %select_n3A, %dma_start3A_328] : memref<77x16x4096xf32, #tpu.memory_space<hbm>> -> memref<8x1x4096xf32, #tpu.memory_space<hbm>>
      %dma_start3A_330 = tpu.memref_squeeze %dma_start3A_329 : memref<8x1x4096xf32, #tpu.memory_space<hbm>> -> memref<8x4096xf32, #tpu.memory_space<hbm>>
      %dma_start3A_331 = arith.constant 0 : i32
      %dma_start3A_332 = arith.constant 0 : i32
      %dma_start3A_333 = tpu.memref_slice %arg6[%dma_start3A_318, %dma_start3A_331, %dma_start3A_332] : memref<3x8x4096xf32, #tpu.memory_space<vmem>> -> memref<1x8x4096xf32, #tpu.memory_space<vmem>>
      %dma_start3A_334 = tpu.memref_squeeze %dma_start3A_333 : memref<1x8x4096xf32, #tpu.memory_space<vmem>> -> memref<8x4096xf32, #tpu.memory_space<vmem>>
      tpu.enqueue_dma source(%dma_start3A_334 : memref<8x4096xf32, #tpu.memory_space<vmem>>) target(%dma_start3A_330 : memref<8x4096xf32, #tpu.memory_space<hbm>>) target_semaphore(%arg11 : memref<!tpu.dma_semaphore, #tpu.memory_space<semaphore_mem>>)
      %dma_wait3A_335 = arith.constant 1 : i32
      %dma_wait3A_336 = arith.constant 0 : i32
      %dma_wait3A_337 = arith.constant 0 : i32
      %dma_wait3A_338 = tpu.memref_slice %arg6[%dma_wait3A_335, %dma_wait3A_336, %dma_wait3A_337] : memref<3x8x4096xf32, #tpu.memory_space<vmem>> -> memref<1x8x4096xf32, #tpu.memory_space<vmem>>
      %dma_wait3A_339 = tpu.memref_squeeze %dma_wait3A_338 : memref<1x8x4096xf32, #tpu.memory_space<vmem>> -> memref<8x4096xf32, #tpu.memory_space<vmem>>
      %dma_wait3A_340 = arith.constant 32 : i32
      %dma_wait3A_341 = arith.constant 0 : i32
      %dma_wait3A_342 = tpu.memref_slice %arg4[%dma_wait3A_340, %select_n3A, %dma_wait3A_341] : memref<77x16x4096xf32, #tpu.memory_space<hbm>> -> memref<8x1x4096xf32, #tpu.memory_space<hbm>>
      %dma_wait3A_343 = tpu.memref_squeeze %dma_wait3A_342 : memref<8x1x4096xf32, #tpu.memory_space<hbm>> -> memref<8x4096xf32, #tpu.memory_space<hbm>>
      %dma_wait3A_344 = arith.constant 32 : i32
      %dma_wait3A_345 = arith.constant 0 : i32
      %dma_wait3A_346 = tpu.memref_slice %arg4[%dma_wait3A_344, %select_n3A, %dma_wait3A_345] : memref<77x16x4096xf32, #tpu.memory_space<hbm>> -> memref<8x1x4096xf32, #tpu.memory_space<hbm>>
      %dma_wait3A_347 = tpu.memref_squeeze %dma_wait3A_346 : memref<8x1x4096xf32, #tpu.memory_space<hbm>> -> memref<8x4096xf32, #tpu.memory_space<hbm>>
      %dma_wait3A_348 = arith.constant 0 : i32
      %dma_wait3A_349 = arith.constant 0 : i32
      %dma_wait3A_350 = tpu.memref_slice %arg6[%dma_wait3A_335, %dma_wait3A_348, %dma_wait3A_349] : memref<3x8x4096xf32, #tpu.memory_space<vmem>> -> memref<1x8x4096xf32, #tpu.memory_space<vmem>>
      %dma_wait3A_351 = tpu.memref_squeeze %dma_wait3A_350 : memref<1x8x4096xf32, #tpu.memory_space<vmem>> -> memref<8x4096xf32, #tpu.memory_space<vmem>>
      tpu.wait_dma2 semaphore(%arg11 : memref<!tpu.dma_semaphore, #tpu.memory_space<semaphore_mem>>) src(%dma_wait3A_351 : memref<8x4096xf32, #tpu.memory_space<vmem>>) dst(%dma_wait3A_347 : memref<8x4096xf32, #tpu.memory_space<hbm>>)
    } else {
    }
    %eq3A_283 = arith.constant 1 : i32
    %eq3A_284 = arith.cmpi eq, %select_n3A_30, %eq3A_283 : i32
    %convert_element_type3A_285 = arith.extui %eq3A_284 : i1 to i32
    %cond3A_286 = arith.constant 0 : i32
    %cond3A_287 = arith.cmpi ne, %convert_element_type3A_285, %cond3A_286 : i32
    scf.if %cond3A_287 {
      %dma_start3A_318 = arith.constant 1 : i32
      %dma_start3A_319 = arith.constant 0 : i32
      %dma_start3A_320 = arith.constant 0 : i32
      %dma_start3A_321 = tpu.memref_slice %arg6[%dma_start3A_318, %dma_start3A_319, %dma_start3A_320] : memref<3x8x4096xf32, #tpu.memory_space<vmem>> -> memref<1x5x4096xf32, #tpu.memory_space<vmem>>
      %dma_start3A_322 = tpu.memref_squeeze %dma_start3A_321 : memref<1x5x4096xf32, #tpu.memory_space<vmem>> -> memref<5x4096xf32, #tpu.memory_space<vmem>>
      %dma_start3A_323 = arith.constant 72 : i32
      %dma_start3A_324 = arith.constant 0 : i32
      %dma_start3A_325 = tpu.memref_slice %arg4[%dma_start3A_323, %select_n3A, %dma_start3A_324] : memref<77x16x4096xf32, #tpu.memory_space<hbm>> -> memref<5x1x4096xf32, #tpu.memory_space<hbm>>
      %dma_start3A_326 = tpu.memref_squeeze %dma_start3A_325 : memref<5x1x4096xf32, #tpu.memory_space<hbm>> -> memref<5x4096xf32, #tpu.memory_space<hbm>>
      %dma_start3A_327 = arith.constant 72 : i32
      %dma_start3A_328 = arith.constant 0 : i32
      %dma_start3A_329 = tpu.memref_slice %arg4[%dma_start3A_327, %select_n3A, %dma_start3A_328] : memref<77x16x4096xf32, #tpu.memory_space<hbm>> -> memref<5x1x4096xf32, #tpu.memory_space<hbm>>
      %dma_start3A_330 = tpu.memref_squeeze %dma_start3A_329 : memref<5x1x4096xf32, #tpu.memory_space<hbm>> -> memref<5x4096xf32, #tpu.memory_space<hbm>>
      %dma_start3A_331 = arith.constant 0 : i32
      %dma_start3A_332 = arith.constant 0 : i32
      %dma_start3A_333 = tpu.memref_slice %arg6[%dma_start3A_318, %dma_start3A_331, %dma_start3A_332] : memref<3x8x4096xf32, #tpu.memory_space<vmem>> -> memref<1x5x4096xf32, #tpu.memory_space<vmem>>
      %dma_start3A_334 = tpu.memref_squeeze %dma_start3A_333 : memref<1x5x4096xf32, #tpu.memory_space<vmem>> -> memref<5x4096xf32, #tpu.memory_space<vmem>>
      tpu.enqueue_dma source(%dma_start3A_334 : memref<5x4096xf32, #tpu.memory_space<vmem>>) target(%dma_start3A_330 : memref<5x4096xf32, #tpu.memory_space<hbm>>) target_semaphore(%arg11 : memref<!tpu.dma_semaphore, #tpu.memory_space<semaphore_mem>>)
      %dma_wait3A_335 = arith.constant 1 : i32
      %dma_wait3A_336 = arith.constant 0 : i32
      %dma_wait3A_337 = arith.constant 0 : i32
      %dma_wait3A_338 = tpu.memref_slice %arg6[%dma_wait3A_335, %dma_wait3A_336, %dma_wait3A_337] : memref<3x8x4096xf32, #tpu.memory_space<vmem>> -> memref<1x5x4096xf32, #tpu.memory_space<vmem>>
      %dma_wait3A_339 = tpu.memref_squeeze %dma_wait3A_338 : memref<1x5x4096xf32, #tpu.memory_space<vmem>> -> memref<5x4096xf32, #tpu.memory_space<vmem>>
      %dma_wait3A_340 = arith.constant 72 : i32
      %dma_wait3A_341 = arith.constant 0 : i32
      %dma_wait3A_342 = tpu.memref_slice %arg4[%dma_wait3A_340, %select_n3A, %dma_wait3A_341] : memref<77x16x4096xf32, #tpu.memory_space<hbm>> -> memref<5x1x4096xf32, #tpu.memory_space<hbm>>
      %dma_wait3A_343 = tpu.memref_squeeze %dma_wait3A_342 : memref<5x1x4096xf32, #tpu.memory_space<hbm>> -> memref<5x4096xf32, #tpu.memory_space<hbm>>
      %dma_wait3A_344 = arith.constant 72 : i32
      %dma_wait3A_345 = arith.constant 0 : i32
      %dma_wait3A_346 = tpu.memref_slice %arg4[%dma_wait3A_344, %select_n3A, %dma_wait3A_345] : memref<77x16x4096xf32, #tpu.memory_space<hbm>> -> memref<5x1x4096xf32, #tpu.memory_space<hbm>>
      %dma_wait3A_347 = tpu.memref_squeeze %dma_wait3A_346 : memref<5x1x4096xf32, #tpu.memory_space<hbm>> -> memref<5x4096xf32, #tpu.memory_space<hbm>>
      %dma_wait3A_348 = arith.constant 0 : i32
      %dma_wait3A_349 = arith.constant 0 : i32
      %dma_wait3A_350 = tpu.memref_slice %arg6[%dma_wait3A_335, %dma_wait3A_348, %dma_wait3A_349] : memref<3x8x4096xf32, #tpu.memory_space<vmem>> -> memref<1x5x4096xf32, #tpu.memory_space<vmem>>
      %dma_wait3A_351 = tpu.memref_squeeze %dma_wait3A_350 : memref<1x5x4096xf32, #tpu.memory_space<vmem>> -> memref<5x4096xf32, #tpu.memory_space<vmem>>
      tpu.wait_dma2 semaphore(%arg11 : memref<!tpu.dma_semaphore, #tpu.memory_space<semaphore_mem>>) src(%dma_wait3A_351 : memref<5x4096xf32, #tpu.memory_space<vmem>>) dst(%dma_wait3A_347 : memref<5x4096xf32, #tpu.memory_space<hbm>>)
    } else {
    }
    %dma_wait3A_288 = arith.constant 0 : i32
    %dma_wait3A_289 = arith.constant 0 : i32
    %dma_wait3A_290 = arith.constant 0 : i32
    %dma_wait3A_291 = tpu.memref_slice %arg6[%dma_wait3A_288, %dma_wait3A_289, %dma_wait3A_290] : memref<3x8x4096xf32, #tpu.memory_space<vmem>> -> memref<1x8x4096xf32, #tpu.memory_space<vmem>>
    %dma_wait3A_292 = tpu.memref_squeeze %dma_wait3A_291 : memref<1x8x4096xf32, #tpu.memory_space<vmem>> -> memref<8x4096xf32, #tpu.memory_space<vmem>>
    %dma_wait3A_293 = arith.constant 0 : i32
    %dma_wait3A_294 = tpu.memref_slice %arg4[%add3A_254, %select_n3A, %dma_wait3A_293] : memref<77x16x4096xf32, #tpu.memory_space<hbm>> -> memref<8x1x4096xf32, #tpu.memory_space<hbm>>
    %dma_wait3A_295 = tpu.memref_squeeze %dma_wait3A_294 : memref<8x1x4096xf32, #tpu.memory_space<hbm>> -> memref<8x4096xf32, #tpu.memory_space<hbm>>
    %dma_wait3A_296 = arith.constant 0 : i32
    %dma_wait3A_297 = tpu.memref_slice %arg4[%add3A_254, %select_n3A, %dma_wait3A_296] : memref<77x16x4096xf32, #tpu.memory_space<hbm>> -> memref<8x1x4096xf32, #tpu.memory_space<hbm>>
    %dma_wait3A_298 = tpu.memref_squeeze %dma_wait3A_297 : memref<8x1x4096xf32, #tpu.memory_space<hbm>> -> memref<8x4096xf32, #tpu.memory_space<hbm>>
    %dma_wait3A_299 = arith.constant 0 : i32
    %dma_wait3A_300 = arith.constant 0 : i32
    %dma_wait3A_301 = tpu.memref_slice %arg6[%dma_wait3A_288, %dma_wait3A_299, %dma_wait3A_300] : memref<3x8x4096xf32, #tpu.memory_space<vmem>> -> memref<1x8x4096xf32, #tpu.memory_space<vmem>>
    %dma_wait3A_302 = tpu.memref_squeeze %dma_wait3A_301 : memref<1x8x4096xf32, #tpu.memory_space<vmem>> -> memref<8x4096xf32, #tpu.memory_space<vmem>>
    tpu.wait_dma2 semaphore(%arg10 : memref<!tpu.dma_semaphore, #tpu.memory_space<semaphore_mem>>) src(%dma_wait3A_302 : memref<8x4096xf32, #tpu.memory_space<vmem>>) dst(%dma_wait3A_298 : memref<8x4096xf32, #tpu.memory_space<hbm>>)
    %dma_wait3A_303 = arith.constant 2 : i32
    %dma_wait3A_304 = arith.constant 0 : i32
    %dma_wait3A_305 = arith.constant 0 : i32
    %dma_wait3A_306 = tpu.memref_slice %arg6[%dma_wait3A_303, %dma_wait3A_304, %dma_wait3A_305] : memref<3x8x4096xf32, #tpu.memory_space<vmem>> -> memref<1x8x4096xf32, #tpu.memory_space<vmem>>
    %dma_wait3A_307 = tpu.memref_squeeze %dma_wait3A_306 : memref<1x8x4096xf32, #tpu.memory_space<vmem>> -> memref<8x4096xf32, #tpu.memory_space<vmem>>
    %dma_wait3A_308 = arith.constant 0 : i32
    %dma_wait3A_309 = tpu.memref_slice %arg4[%add3A_202, %select_n3A, %dma_wait3A_308] : memref<77x16x4096xf32, #tpu.memory_space<hbm>> -> memref<8x1x4096xf32, #tpu.memory_space<hbm>>
    %dma_wait3A_310 = tpu.memref_squeeze %dma_wait3A_309 : memref<8x1x4096xf32, #tpu.memory_space<hbm>> -> memref<8x4096xf32, #tpu.memory_space<hbm>>
    %dma_wait3A_311 = arith.constant 0 : i32
    %dma_wait3A_312 = tpu.memref_slice %arg4[%add3A_202, %select_n3A, %dma_wait3A_311] : memref<77x16x4096xf32, #tpu.memory_space<hbm>> -> memref<8x1x4096xf32, #tpu.memory_space<hbm>>
    %dma_wait3A_313 = tpu.memref_squeeze %dma_wait3A_312 : memref<8x1x4096xf32, #tpu.memory_space<hbm>> -> memref<8x4096xf32, #tpu.memory_space<hbm>>
    %dma_wait3A_314 = arith.constant 0 : i32
    %dma_wait3A_315 = arith.constant 0 : i32
    %dma_wait3A_316 = tpu.memref_slice %arg6[%dma_wait3A_303, %dma_wait3A_314, %dma_wait3A_315] : memref<3x8x4096xf32, #tpu.memory_space<vmem>> -> memref<1x8x4096xf32, #tpu.memory_space<vmem>>
    %dma_wait3A_317 = tpu.memref_squeeze %dma_wait3A_316 : memref<1x8x4096xf32, #tpu.memory_space<vmem>> -> memref<8x4096xf32, #tpu.memory_space<vmem>>
    tpu.wait_dma2 semaphore(%arg12 : memref<!tpu.dma_semaphore, #tpu.memory_space<semaphore_mem>>) src(%dma_wait3A_317 : memref<8x4096xf32, #tpu.memory_space<vmem>>) dst(%dma_wait3A_313 : memref<8x4096xf32, #tpu.memory_space<hbm>>)
    return
  }
}

</mosaic_0001>

<sc_bundles>
// kernel: kernel.3.cloned.1.call-start
scs
__scs_entry_jumppad:
0x0: {  	(pc) =	sbr.rel $0x88, $3  }
0x1: {  	(tag) =	ssettag $0x0;
	lr =	simm.s32 $0x1  }
0x2: {  	[smem:$0x3F9F] =	sst lr;
	_ =	strace $0xD0000000  }
0x3: {  	_ = 	snop  }
0x4: {  	_ = 	snop  }
0x5: {  	_ = 	snop  }
0x6: {  	_ = 	snop  }
0x7: {  	_ = 	snop  }
__scs_overlays_trampoline_lowered:
0x8: {  	[smem:$0x3FAE] =	sst s0  }
0x9: {  	[smem:$0x3FAF] =	sst s1  }
0xa: {  	[smem:$0x3FB0] =	sst s2  }
0xb: {  	[smem:$0x3FB1] =	sst s3  }
0xc: {  	[smem:$0x3FB2] =	sst s4  }
0xd: {  	[smem:$0x3FB3] =	sst s5  }
0xe: {  	[smem:$0x3FB4] =	sst s6  }
0xf: {  	[smem:$0x3FB5] =	sst s7  }
0x10: {  	[smem:$0x3FB6] =	sst s8  }
0x11: {  	[smem:$0x3FB7] =	sst s9;
	s0 =	simm.s32 @!p0 $0x0  }
0x12: {  	s1 =	sld [smem:$0x3F9D];
	s0 =	simm.s32 @p0 $0x1  }
0x13: {  	[smem:$0x3FB8] =	sst s0;
	s0 =	simm.s32 @!p1 $0x0  }
0x14: {  	s2 =	sld [smem:$0x3F9C];
	s0 =	simm.s32 @p1 $0x1  }
0x15: {  	[smem:$0x3FB9] =	sst s0;
	s0 =	simm.s32 @!p2 $0x0  }
0x16: {  	s3 =	sld [smem:$0x3FDB];
	s0 =	simm.s32 @p2 $0x1  }
0x17: {  	s4 =	simm.s32 $0x1BF5;
	[smem:$0x3FBB] =	sst s0  }
0x18: {  	s0 =	sld [smem:$0x3F9E];
	_ =	swait.ge [sflag:s4], $0x0  }
0x19: {  	s7 =	sld [smem:$0x3F9F]  }
0x1a: {  	s8 =	sadd.s32 $0xFFFFE003, lr  }
0x1b: {  	s9 =	sadd.s32 $0xFFFFFEF7, lr;
	s5 =	simm.s32 $0xFFFFFFFF;
	p2 =	slt.u32 s8, $0xFFFFF086  }
0x1c: {  	p1 =	slt.u32 s9, $0xF7A;
	s5 =	simm.s32 @!p2 $0x0  }
0x1d: {  	s5 =	simm.s32 @p1 $0x1;
	p0 =	seq.s32 s7, s2  }
0x1e: {  	s7 =	smul.u32 @!p0 $0xF7A, s2;
	p2 =	seq.s32 @!p0 s5, $0x0  }
0x1f: {  	s9 =	smul.u32 $0xF7A, s1;
	s8 =	simm.s32 @!p0 $0x1BF5;
	p2 =	por !p2, p0  }
0x20: {  	[sflag:s8] =	ssyncset.s32 @!p0 $0xFFFFF086;
	s6 =	sadd.s32 @!p0 s3, s7;
	s7 =	simm.s32 @!p0 $0x108  }
0x21: {  	s3 =	sadd.s32 s3, s9;
	s6 =	sadd.s32 @!p0 $0x88, s6;
	s7 =	simm.s32 @p2 $0x1082  }
0x22: {  	[simem:s7], [sflag:s8] =	dma.local @!p0 [hbm:s6], $0xF7A  }
0x23: {  	s9 =	sor.u32 $0xD0000000, s2;
	s6 =	simm.s32 $0x108;
	_ =	swait.ge @!p0 [sflag:s8], $0x0  }
0x24: {  	s3 =	sadd.s32 $0x88, s3;
	s6 =	simm.s32 @!p1 $0x1082;
	[sflag:s4] =	ssyncset.s32 $0xFFFFF086  }
0x25: {  	[simem:s6], [sflag:s4] =	dma.local [hbm:s3], $0xF7A  }
0x26: {  	[smem:$0x3F9F] =	sst s1;
	(tag) =	ssettag s2;
	_ =	strace s9  }
0x27: {  	s1 =	sld [smem:$0x3FAF]  }
0x28: {  	s2 =	sld [smem:$0x3FB0]  }
0x29: {  	s4 =	sld [smem:$0x3FB2]  }
0x2a: {  	p0 =	seq.s32 s5, $0x0;
	s5 =	sld [smem:$0x3FB3]  }
0x2b: {  	s6 =	sld [smem:$0x3FB4]  }
0x2c: {  	s7 =	sld [smem:$0x3FB5]  }
0x2d: {  	s3 =	simm.s32 $0x108;
	s8 =	sld [smem:$0x3FB6]  }
0x2e: {  	s3 =	simm.s32 @!p0 $0x1082;
	s9 =	sld [smem:$0x3FB7]  }
0x2f: {  	lr =	sadd.s32 s0, s3;
	s0 =	sld [smem:$0x3FAE]  }
0x30: {  	s3 =	sld [smem:$0x3FB1]  }
0x31: {  	[smem:$0x3FBA] =	sst s10  }
0x32: {  	s10 =	sld [smem:$0x3FB8];
	_ =	sdelay $0x3  }
0x33: {  	p0 =	seq.s32 s10, $0x1;
	s10 =	sld [smem:$0x3FBA];
	_ =	sdelay $0x3  }
0x34: {  	[smem:$0x3FBA] =	sst s10  }
0x35: {  	s10 =	sld [smem:$0x3FB9];
	_ =	sdelay $0x3  }
0x36: {  	p1 =	seq.s32 s10, $0x1;
	s10 =	sld [smem:$0x3FBA];
	_ =	sdelay $0x3  }
0x37: {  	[smem:$0x3FBA] =	sst s10  }
0x38: {  	s10 =	sld [smem:$0x3FBB]  }
0x39: {  	_ = 	snop;
	(pc) =	sbr.ind lr, $3  }
0x3a: {  	_ = 	snop  }
0x3b: {  	_ = 	snop  }
0x3c: {  	p2 =	seq.s32 s10, $0x1;
	s10 =	sld [smem:$0x3FBA]  }
0x3d: {  	_ =	shalt  }
0x3e: {  	_ =	shalt  }
0x3f: {  	_ =	shalt  }
0x40: {  	_ =	shalt  }
0x41: {  	_ =	shalt  }
0x42: {  	_ =	shalt  }
0x43: {  	_ =	shalt  }
0x44: {  	_ =	shalt  }
0x45: {  	_ =	shalt  }
0x46: {  	_ =	shalt  }
0x47: {  	_ =	shalt  }
0x48: {  	_ =	shalt  }
0x49: {  	_ =	shalt  }
0x4a: {  	_ =	shalt  }
0x4b: {  	_ =	shalt  }
0x4c: {  	_ =	shalt  }
0x4d: {  	_ =	shalt  }
0x4e: {  	_ =	shalt  }
0x4f: {  	_ =	shalt  }
0x50: {  	_ =	shalt  }
0x51: {  	_ =	shalt  }
0x52: {  	_ =	shalt  }
0x53: {  	_ =	shalt  }
0x54: {  	_ =	shalt  }
0x55: {  	_ =	shalt  }
0x56: {  	_ =	shalt  }
0x57: {  	_ =	shalt  }
0x58: {  	_ =	shalt  }
0x59: {  	_ =	shalt  }
0x5a: {  	_ =	shalt  }
0x5b: {  	_ =	shalt  }
0x5c: {  	_ =	shalt  }
0x5d: {  	_ =	shalt  }
0x5e: {  	_ =	shalt  }
0x5f: {  	_ =	shalt  }
0x60: {  	_ =	shalt  }
0x61: {  	_ =	shalt  }
0x62: {  	_ =	shalt  }
0x63: {  	_ =	shalt  }
0x64: {  	_ =	shalt  }
0x65: {  	_ =	shalt  }
0x66: {  	_ =	shalt  }
0x67: {  	_ =	shalt  }
0x68: {  	_ =	shalt  }
0x69: {  	_ =	shalt  }
0x6a: {  	_ =	shalt  }
0x6b: {  	_ =	shalt  }
0x6c: {  	_ =	shalt  }
0x6d: {  	_ =	shalt  }
0x6e: {  	_ =	shalt  }
0x6f: {  	_ =	shalt  }
0x70: {  	_ =	shalt  }
0x71: {  	_ =	shalt  }
0x72: {  	_ =	shalt  }
0x73: {  	_ =	shalt  }
0x74: {  	_ =	shalt  }
0x75: {  	_ =	shalt  }
0x76: {  	_ =	shalt  }
0x77: {  	_ =	shalt  }
0x78: {  	_ =	shalt  }
0x79: {  	_ =	shalt  }
0x7a: {  	_ =	shalt  }
0x7b: {  	_ =	shalt  }
0x7c: {  	_ =	shalt  }
0x7d: {  	_ =	shalt  }
0x7e: {  	_ =	shalt  }
0x7f: {  	_ =	shalt  }
0x80: {  	_ =	shalt  }
0x81: {  	_ =	shalt  }
0x82: {  	_ =	shalt  }
0x83: {  	_ =	shalt  }
0x84: {  	_ =	shalt  }
0x85: {  	_ =	shalt  }
0x86: {  	_ =	shalt  }
0x87: {  	_ =	shalt  }
.Lfunc_end0:
.L_simem_size_0:
called_computation_lowered:
.L_overlay_start_0:
0x88: {  	s2 =	sld [smem:$0x3FD9]  }
0x89: {  	s3 =	sld [smem:$0x3FFE];
	_ =	sdelay $0x1  }
0x8a: {  	s1 =	srdreg.scid  }
0x8b: {  	s0 =	sand.u32 $0x1, s1  }
0x8c: {  	s17 =	sshll.u32 s0, $0xA;
	s2 =	sadd.s32 s3, s2  }
0x8d: {  	s2 =	sadd.s32 s2, s17  }
0x8e: {  	[smem:$0x3FC6] =	sst s2  }
0x8f: {  	_ = 	snop  }
0x90: {  	s2 =	sld [smem:$0x3FC8]  }
0x91: {  	s18 =	sld [smem:$0x3FD0];
	(tm) =	ssettm $0x1  }
0x92: {  	s4 =	sld [smem:$0x3FFB];
	_ =	sdelay $0x3  }
0x93: {  	_ =	strace s4  }
0x94: {  	s4 =	sld [smem:$0x3FFC];
	_ =	sdelay $0x3  }
0x95: {  	_ =	strace s4  }
0x96: {  	s4 =	sld [smem:$0x3FFD];
	_ =	sdelay $0x3  }
0x97: {  	_ =	strace s4  }
0x98: {  	_ =	strace $0x8FFFFFFF  }
0x99: {  	s19 =	sld [smem:$0x3FDB];
	_ =	sdelay $0x1  }
0x9a: {  	s5 =	simm.s32 $_scs_section_size  }
0x9b: {  	s6 =	simm.s32 $_size__tile_overlayer_lowered;
	s7 =	simm.s32 $_tile_overlayer_lowered  }
0x9c: {  	s22 =	simm.s32 $0x1BFF;
	s21 =	sshll.u32 s7, $0x1;
	s4 =	sadd.s32 s5, s19  }
0x9d: {  	s8 =	simm.s32 $0x0;
	s20 =	sshll.u32 s6, $0x1;
	s6 =	sadd.s32 s21, s4  }
0x9e: {  	[timem:s8], [sflag:s22] =	dma.local [hbm:s6], s20  }
0x9f: {  	_ =	swait.ge [sflag:s22], s20  }
0xa0: {  	s5 =	ssub.s32 $0x0, s20;
	[sflag:s22] =	ssyncset.done $0x0  }
0xa1: {  	[sflag:s22] =	ssyncadd.s32 s5;
	_ =	sdelay $0x1  }
0xa2: {  	s23 =	simm.s32 $0x1B8B  }
0xa3: {  	_ =	swait.ge [sflag:s23], $0x1  }
0xa4: {  	[sflag:s23] =	ssyncset.done $0x0  }
0xa5: {  	s25 =	simm.s32 $0x1B8E;
	s24 =	sld [smem:$0x3FFE];
	[sflag:s23] =	ssyncadd.s32 $0xFFFFFFFF  }
0xa6: {  	s26 =	simm.s32 $execute0_lowered;
	[smem:$0x3FD2] =	sst s25  }
0xa7: {  	s6 =	sshll.u32 s26, $0x1;
	_ =	strace $0x80000046;
	[dreg:$0x1] =	wrdreg $0xFFFFFFFF  }
0xa8: {  	s28 =	simm.s32 $_size_execute0_lowered;
	s4 =	sadd.s32 s4, s6;
	[dreg:$0x0] =	wrdreg $0x0  }
0xa9: {  	s6 =	sshll.u32 s28, $0x1;
	[dreg:$0x2] =	wrdreg s4  }
0xaa: {  	[dreg:$0x3] =	wrdreg s6  }
0xab: {  	[dreg:$0x4] =	wrdreg $0xC0  }
0xac: {  	_ =	task [dreg:s8], $0x5FFFF  }
0xad: {  	[dreg:$0x1] =	wrdreg $0xFFFFFFFF  }
0xae: {  	[dreg:$0x0] =	wrdreg $0x60  }
0xaf: {  	[dreg:$0x2] =	wrdreg s24  }
0xb0: {  	[dreg:$0x3] =	wrdreg s2  }
0xb1: {  	[dreg:$0x4] =	wrdreg s18  }
0xb2: {  	[dreg:$0x5] =	wrdreg $0x9  }
0xb3: {  	_ =	task.clear_ibuf [dreg:s8], $0x6FFFF;
	_ =	strace $0x90000046  }
0xb4: {  	s29 =	simm.s32 $0x9;
	_ =	strace $0x80000048  }
0xb5: {  	_ =	swait.ge [sflag:s29], $0x1  }
0xb6: {  	[sflag:s29] =	ssyncadd.s32 $0xFFFFFFFF  }
0xb7: {  	_ =	strace $0x90000048  }
0xb8: {  	_ =	sfence  }
0xb9: {  	s30 =	sld [smem:$0x0];
	_ =	sdelay $0x2  }
0xba: {  	s31 =	sshll.u32 s1, $0xD;
	s1 =	sshrl.u32 s1, $0x2  }
0xbb: {  	s3 =	sand.u32 $0x4000, s31;
	s1 =	sadd.s32 s1, s30  }
0xbc: {  	s0 =	sor.u32 s3, s0;
	s1 =	sshll.u32 s1, $0x11  }
0xbd: {  	s0 =	sor.u32 s1, s0  }
0xbe: {  	s0 =	sadd.s32 $0x8F2B, s0  }
0xbf: {  	[sflag:s0] =	ssyncadd.remote.s32 $0x1  }
0xc0: {  	_ =	sfence.sel $0xFFFF  }
0xc1: {  	[dreg:$0x0] =	wrdreg $0xFFFFFFFF;
	(pc) =	sbr.abs _section_cstart, $3  }
0xc2: {  	[dreg:$0x1] =	wrdreg $0xFFFFFFFF  }
0xc3: {  	_ =	task.clear_ibuf [dreg:s8], $0x2FFFF;
	_ =	strace $0x9FFFFFFF  }
0xc4: {  	(tm) =	ssettm $0x7FFFFFFF  }
0xc5: {  	_ =	shalt  }
tec
execute0_lowered:
.L_overlay_start_1:
0x0: {  	(tag) =	ssettag $0x1  }
0x1: {  	s0 =	srdreg.scid;
	s24 =	rddreg [dreg:$0x0]  }
0x2: {  	s3 =	stileid.u32;
	s28 =	rddreg [dreg:$0x1]  }
0x3: {  	s2 =	simm.s32 $0x1;
	s4 =	rddreg [dreg:$0x2];
	s29 =	simm.s32 $0x10000  }
0x4: {  	s31 =	simm.s32 $0x5;
	s1 =	sand.u32 $0x1, s0;
	s10 =	sadd.s32 $0x500, s28  }
0x5: {  	s13 =	sadd.s32 $0x800, s28;
	s21 =	sadd.s32 $0xA00, s28;
	s25 =	smul.u32 $0x28, s1  }
0x6: {  	s22 =	sadd.s32 $0xB00, s28;
	s0 =	sor.u32 s1, s3;
	s9 =	smul.u32 $0xFFFFFFF5, s1  }
0x7: {  	p0 =	seq.s32 s1, $0x1;
	s6 =	ssub.s32 $0x2, s1;
	s12 =	smul.u32 $0x280000, s1  }
0x8: {  	p1 =	seq.s32 s0, $0x0;
	s8 =	sshrl.u32 s6, $0x1;
	s0 =	sadd.s32 $0x400, s24  }
0x9: {  	s24 =	sadd.s32 $0xC00, s28;
	p1 =	por !p1, !p0;
	s23 =	ssub.s32 s6, s8  }
0xa: {  	s6 =	sadd.s32 $0x100, s28;
	s8 =	sadd.s32 $0x300, s28;
	p1 =	por !p1, !p1  }
0xb: {  	s30 =	smax.u32 s23, $0x1;
	s2 =	simm.s32 @!p1 $0x0;
	p1 =	seq.s32 s1, $0x0  }
0xc: {  	s1 =	simm.s32 $0x2;
	s5 =	ssub.s32 s3, s2;
	s3 =	simm.s32 $0x0  }
0xd: {  	s7 =	smul.u32 $0x4D, s5;
	[smem:$0x7FF] =	sst s3;
	s11 =	sshll.u32 s5, $0xC  }
0xe: {  	s5 =	sshll.u32 s5, $0x7;
	_ =	strace $0x80000047;
	[dreg:$0x4] =	wrdreg s0  }
0xf: {  	s0 =	sadd.s32 $0x2F, s9;
	s9 =	sadd.s32 $0x400, s28;
	s17 =	sand.u32 $0xFFFF8000, s11  }
0x10: {  	s11 =	sadd.s32 $0x600, s28;
	s5 =	sand.u32 $0x380, s5;
	[dreg:$0x5] =	wrdreg s30  }
0x11: {  	s2 =	sadd.s32 s25, s7;
	s7 =	sadd.s32 $0x200, s28;
	s14 =	sadd.s32 s12, s17  }
0x12: {  	s12 =	sadd.s32 $0x700, s28;
	s25 =	sadd.s32 $0xD00, s28;
	s18 =	sor.u32 s5, s14  }
0x13: {  	s14 =	sadd.s32 $0x900, s28;
	s5 =	sor.u32 s5, s17;
	s15 =	sshrl.u32 s18, $0x3  }
0x14: {  	v3 =	vlaneseq.u32;
	v0 =	vmov s0;
	s16 =	sadd.s32 $0x80000, s18;
	s19 =	sadd.s32 $0x100000, s18;
	s18 =	sadd.s32 $0x180000, s18  }
0x15: {  	v1 =	vor.u32 $0x10, v3;
	v2 =	vor.u32 $0x20, v3;
	vm0 =	vlt.s32 v0, v3;
	s26 =	sadd.s32 $0x200000, s5;
	s5 =	sadd.s32 $0x480000, s5;
	s15 =	sadd.s32 s4, s15  }
.Ltmp0:
0x16: {  	vm1 =	vlt.s32 v0, v2;
	v4 =	vsel vm0, s0, v3;
	vm0 =	vlt.s32 v0, v1;
	s16 =	sshrl.u32 s16, $0x3;
	s19 =	sshrl.u32 s19, $0x3;
	(pc) =	sbr.rel .LBB2_1-.Ltmp0, $4  }
0x17: {  	v2 =	vsel vm1, s0, v2;
	s18 =	sshrl.u32 s18, $0x3;
	s5 =	sshrl.u32 s5, $0x3;
	v1 =	vsel vm0, s0, v1;
	s0 =	simm.s32 $0x80  }
0x18: {  	v0 =	vadd.s32 s2, v4;
	s16 =	sadd.s32 s4, s16;
	s17 =	sadd.s32 s4, s19;
	s19 =	sshrl.u32 s26, $0x3  }
0x19: {  	v2 =	vadd.s32 s2, v2;
	v4 =	vshrl.u32 v3, $0x3;
	vm0 =	vmmov $0xffff;
	s18 =	sadd.s32 s4, s18;
	s20 =	sadd.s32 s4, s5;
	s26 =	sadd.s32 $0xE00, s28  }
0x1a: {  	v3 =	vand.u32 $0x7, v3;
	s28 =	sadd.s32 $0xF00, s28;
	v1 =	vadd.s32 s2, v1;
	v4 =	vmul.u32 $0x8, v4;
	s2 =	simm.s32 $0x0;
	s19 =	sadd.s32 s4, s19  }
.LBB2_15:
0x1b: {  	[hbm4b:s5+s0] =	stream.strided.scatter [tilespmem:s4], [sflag:$0x5], $0x280, s29, s0, $0x38;
	[tilespmem:$0x18080] =	vst v63  }
0x1c: {  	_ =	swait.ge [sflag:s31], $0x5000  }
0x1d: {  	[sflag:s31] =	ssyncset.done $0x0  }
0x1e: {  	[sflag:s31] =	ssyncadd.s32 $0xFFFFB000  }
.LBB2_16:
0x1f: {  	s4 =	simm.s32 $0x4  }
0x20: {  	_ =	swait.ge [sflag:s4], $0x8000  }
0x21: {  	[sflag:s4] =	ssyncset.done $0x0  }
0x22: {  	s5 =	simm.s32 $0x6;
	[sflag:s4] =	ssyncadd.s32 $0xFFFF8000  }
0x23: {  	_ =	swait.ge [sflag:s5], $0x8000  }
0x24: {  	s2 =	sadd.s32 $0x1, s2;
	s30 =	rddreg [dreg:$0x5]  }
0x25: {  	p2 =	sne.s32 s2, s30  }
.Ltmp1:
0x26: {  	_ = 	snop;
	(pc) =	sbr.rel @!p2 .LBB2_17-.Ltmp1, $3  }
0x27: {  	_ =	sdelay $0x1  }
0x28: {  	[sflag:s5] =	ssyncset.done $0x0  }
0x29: {  	[sflag:s5] =	ssyncadd.s32 $0xFFFF8000  }
.LBB2_1:
0x2a: {  	_ =	sdelay $0x2  }
0x2b: {  	s4 =	rddreg [dreg:$0x4]  }
0x2c: {  	[tilespmem:s3], [sflag:$0x1] =	stream.indirect_vreg.gather [hbm4b:s4+s3], $0x1, v0, vm0, $0xb8;
	[tilespmem:$0x18080] =	vst v63  }
0x2d: {  	s5 =	simm.s32 $0x10  }
0x2e: {  	[tilespmem:s5], [sflag:$0x2] =	stream.indirect_vreg.gather [hbm4b:s4+s3], $0x1, v1, vm0, $0xb8;
	[tilespmem:$0x18080] =	vst v63  }
0x2f: {  	s23 =	simm.s32 $0x20;
	s5 =	simm.s32 $0x1  }
0x30: {  	[tilespmem:s23], [sflag:$0x3] =	stream.indirect_vreg.gather [hbm4b:s4+s3], $0x1, v2, vm0, $0xb8;
	[tilespmem:$0x18080] =	vst v63  }
0x31: {  	_ =	swait.ge [sflag:s5], $0x10  }
0x32: {  	[sflag:s5] =	ssyncset.done $0x0  }
0x33: {  	[sflag:s5] =	ssyncadd.s32 $0xFFFFFFF0  }
0x34: {  	v5 =	vld.msk [tilespmem:$0x0], $0xff;
	_ =	sdelay $0x4  }
0x35: {  	v6 =	vshll.u32 v5, $0x5  }
0x36: {  	v5 =	vand.u32 $0x7, v5;
	v6 =	vand.u32 $0xFFFFFF00, v6  }
0x37: {  	v5 =	vor.u32 v5, v6  }
0x38: {  	v5 =	vperm.xlane v5, v3;
	_ =	sdelay $0x1  }
0x39: {  	v5 =	vadd.s32 v4, v5;
	_ =	sdelay $0x3  }
0x3a: {  	s4 =	rddreg [dreg:$0x1]  }
0x3b: {  	[tilespmem:s0], [sflag:$0x1] =	stream.indirect_vreg.gather [hbm4b:s4+s3], $0x80, v5, vm0, $0xb8;
	[tilespmem:$0x18080] =	vst v63  }
0x3c: {  	s23 =	simm.s32 $0x880  }
0x3d: {  	[tilespmem:s23], [sflag:$0x1] =	stream.indirect_vreg.gather [hbm4b:s6+s3], $0x80, v5, vm0, $0xb8;
	[tilespmem:$0x18080] =	vst v63  }
0x3e: {  	s23 =	simm.s32 $0x1080  }
0x3f: {  	[tilespmem:s23], [sflag:$0x1] =	stream.indirect_vreg.gather [hbm4b:s7+s3], $0x80, v5, vm0, $0xb8;
	[tilespmem:$0x18080] =	vst v63  }
0x40: {  	s23 =	simm.s32 $0x1880  }
0x41: {  	[tilespmem:s23], [sflag:$0x1] =	stream.indirect_vreg.gather [hbm4b:s8+s3], $0x80, v5, vm0, $0xb8;
	[tilespmem:$0x18080] =	vst v63  }
0x42: {  	s23 =	simm.s32 $0x2080  }
0x43: {  	[tilespmem:s23], [sflag:$0x1] =	stream.indirect_vreg.gather [hbm4b:s9+s3], $0x80, v5, vm0, $0xb8;
	[tilespmem:$0x18080] =	vst v63  }
0x44: {  	s23 =	simm.s32 $0x2880  }
0x45: {  	[tilespmem:s23], [sflag:$0x1] =	stream.indirect_vreg.gather [hbm4b:s10+s3], $0x80, v5, vm0, $0xb8;
	[tilespmem:$0x18080] =	vst v63  }
0x46: {  	s23 =	simm.s32 $0x3080  }
0x47: {  	[tilespmem:s23], [sflag:$0x1] =	stream.indirect_vreg.gather [hbm4b:s11+s3], $0x80, v5, vm0, $0xb8;
	[tilespmem:$0x18080] =	vst v63  }
0x48: {  	s23 =	simm.s32 $0x3880  }
0x49: {  	[tilespmem:s23], [sflag:$0x1] =	stream.indirect_vreg.gather [hbm4b:s12+s3], $0x80, v5, vm0, $0xb8;
	[tilespmem:$0x18080] =	vst v63  }
0x4a: {  	s23 =	simm.s32 $0x4080  }
0x4b: {  	[tilespmem:s23], [sflag:$0x1] =	stream.indirect_vreg.gather [hbm4b:s13+s3], $0x80, v5, vm0, $0xb8;
	[tilespmem:$0x18080] =	vst v63  }
0x4c: {  	s23 =	simm.s32 $0x4880  }
0x4d: {  	[tilespmem:s23], [sflag:$0x1] =	stream.indirect_vreg.gather [hbm4b:s14+s3], $0x80, v5, vm0, $0xb8;
	[tilespmem:$0x18080] =	vst v63  }
0x4e: {  	s23 =	simm.s32 $0x5080  }
0x4f: {  	[tilespmem:s23], [sflag:$0x1] =	stream.indirect_vreg.gather [hbm4b:s21+s3], $0x80, v5, vm0, $0xb8;
	[tilespmem:$0x18080] =	vst v63  }
0x50: {  	s23 =	simm.s32 $0x5880  }
0x51: {  	[tilespmem:s23], [sflag:$0x1] =	stream.indirect_vreg.gather [hbm4b:s22+s3], $0x80, v5, vm0, $0xb8;
	[tilespmem:$0x18080] =	vst v63  }
0x52: {  	s23 =	simm.s32 $0x6080  }
0x53: {  	[tilespmem:s23], [sflag:$0x1] =	stream.indirect_vreg.gather [hbm4b:s24+s3], $0x80, v5, vm0, $0xb8;
	[tilespmem:$0x18080] =	vst v63  }
0x54: {  	s23 =	simm.s32 $0x6880  }
0x55: {  	[tilespmem:s23], [sflag:$0x1] =	stream.indirect_vreg.gather [hbm4b:s25+s3], $0x80, v5, vm0, $0xb8;
	[tilespmem:$0x18080] =	vst v63  }
0x56: {  	s23 =	simm.s32 $0x7080  }
0x57: {  	[tilespmem:s23], [sflag:$0x1] =	stream.indirect_vreg.gather [hbm4b:s26+s3], $0x80, v5, vm0, $0xb8;
	[tilespmem:$0x18080] =	vst v63  }
0x58: {  	s23 =	simm.s32 $0x7880  }
0x59: {  	[tilespmem:s23], [sflag:$0x1] =	stream.indirect_vreg.gather [hbm4b:s28+s3], $0x80, v5, vm0, $0xb8;
	[tilespmem:$0x18080] =	vst v63  }
0x5a: {  	v5 =	vld.msk [tilespmem:$0x8], $0xff;
	_ =	sdelay $0x4  }
0x5b: {  	v6 =	vshll.u32 v5, $0x5  }
0x5c: {  	v5 =	vand.u32 $0x7, v5;
	v6 =	vand.u32 $0xFFFFFF00, v6  }
0x5d: {  	v5 =	vor.u32 v5, v6  }
0x5e: {  	v5 =	vperm.xlane v5, v3;
	_ =	sdelay $0x1  }
0x5f: {  	v5 =	vadd.s32 v4, v5;
	_ =	sdelay $0x3  }
0x60: {  	s23 =	simm.s32 $0x8080  }
0x61: {  	[tilespmem:s23], [sflag:$0x2] =	stream.indirect_vreg.gather [hbm4b:s4+s3], $0x80, v5, vm0, $0xb8;
	[tilespmem:$0x18080] =	vst v63  }
0x62: {  	s23 =	simm.s32 $0x8880  }
0x63: {  	[tilespmem:s23], [sflag:$0x2] =	stream.indirect_vreg.gather [hbm4b:s6+s3], $0x80, v5, vm0, $0xb8;
	[tilespmem:$0x18080] =	vst v63  }
0x64: {  	s23 =	simm.s32 $0x9080  }
0x65: {  	[tilespmem:s23], [sflag:$0x2] =	stream.indirect_vreg.gather [hbm4b:s7+s3], $0x80, v5, vm0, $0xb8;
	[tilespmem:$0x18080] =	vst v63  }
0x66: {  	s23 =	simm.s32 $0x9880  }
0x67: {  	[tilespmem:s23], [sflag:$0x2] =	stream.indirect_vreg.gather [hbm4b:s8+s3], $0x80, v5, vm0, $0xb8;
	[tilespmem:$0x18080] =	vst v63  }
0x68: {  	s23 =	simm.s32 $0xA080  }
0x69: {  	[tilespmem:s23], [sflag:$0x2] =	stream.indirect_vreg.gather [hbm4b:s9+s3], $0x80, v5, vm0, $0xb8;
	[tilespmem:$0x18080] =	vst v63  }
0x6a: {  	s23 =	simm.s32 $0xA880  }
0x6b: {  	[tilespmem:s23], [sflag:$0x2] =	stream.indirect_vreg.gather [hbm4b:s10+s3], $0x80, v5, vm0, $0xb8;
	[tilespmem:$0x18080] =	vst v63  }
0x6c: {  	s23 =	simm.s32 $0xB080  }
0x6d: {  	[tilespmem:s23], [sflag:$0x2] =	stream.indirect_vreg.gather [hbm4b:s11+s3], $0x80, v5, vm0, $0xb8;
	[tilespmem:$0x18080] =	vst v63  }
0x6e: {  	s23 =	simm.s32 $0xB880  }
0x6f: {  	[tilespmem:s23], [sflag:$0x2] =	stream.indirect_vreg.gather [hbm4b:s12+s3], $0x80, v5, vm0, $0xb8;
	[tilespmem:$0x18080] =	vst v63  }
0x70: {  	s23 =	simm.s32 $0xC080  }
0x71: {  	[tilespmem:s23], [sflag:$0x2] =	stream.indirect_vreg.gather [hbm4b:s13+s3], $0x80, v5, vm0, $0xb8;
	[tilespmem:$0x18080] =	vst v63  }
0x72: {  	s23 =	simm.s32 $0xC880  }
0x73: {  	[tilespmem:s23], [sflag:$0x2] =	stream.indirect_vreg.gather [hbm4b:s14+s3], $0x80, v5, vm0, $0xb8;
	[tilespmem:$0x18080] =	vst v63  }
0x74: {  	s23 =	simm.s32 $0xD080  }
0x75: {  	[tilespmem:s23], [sflag:$0x2] =	stream.indirect_vreg.gather [hbm4b:s21+s3], $0x80, v5, vm0, $0xb8;
	[tilespmem:$0x18080] =	vst v63  }
0x76: {  	s23 =	simm.s32 $0xD880  }
0x77: {  	[tilespmem:s23], [sflag:$0x2] =	stream.indirect_vreg.gather [hbm4b:s22+s3], $0x80, v5, vm0, $0xb8;
	[tilespmem:$0x18080] =	vst v63  }
0x78: {  	s23 =	simm.s32 $0xE080  }
0x79: {  	[tilespmem:s23], [sflag:$0x2] =	stream.indirect_vreg.gather [hbm4b:s24+s3], $0x80, v5, vm0, $0xb8;
	[tilespmem:$0x18080] =	vst v63  }
0x7a: {  	s23 =	simm.s32 $0xE880  }
0x7b: {  	[tilespmem:s23], [sflag:$0x2] =	stream.indirect_vreg.gather [hbm4b:s25+s3], $0x80, v5, vm0, $0xb8;
	[tilespmem:$0x18080] =	vst v63  }
0x7c: {  	s23 =	simm.s32 $0xF080  }
0x7d: {  	[tilespmem:s23], [sflag:$0x2] =	stream.indirect_vreg.gather [hbm4b:s26+s3], $0x80, v5, vm0, $0xb8;
	[tilespmem:$0x18080] =	vst v63  }
0x7e: {  	s23 =	simm.s32 $0xF880  }
0x7f: {  	[tilespmem:s23], [sflag:$0x2] =	stream.indirect_vreg.gather [hbm4b:s28+s3], $0x80, v5, vm0, $0xb8;
	[tilespmem:$0x18080] =	vst v63  }
0x80: {  	_ =	swait.ge [sflag:s1], $0x10  }
0x81: {  	[sflag:s1] =	ssyncset.done $0x0  }
0x82: {  	[sflag:s1] =	ssyncadd.s32 $0xFFFFFFF0  }
0x83: {  	v5 =	vld.msk [tilespmem:$0x10], $0xff;
	_ =	sdelay $0x4  }
0x84: {  	v6 =	vshll.u32 v5, $0x5  }
0x85: {  	v5 =	vand.u32 $0x7, v5;
	v6 =	vand.u32 $0xFFFFFF00, v6  }
0x86: {  	v5 =	vor.u32 v5, v6  }
0x87: {  	v5 =	vperm.xlane v5, v3;
	_ =	sdelay $0x1  }
0x88: {  	v5 =	vadd.s32 v4, v5;
	_ =	sdelay $0x3  }
0x89: {  	s23 =	simm.s32 $0x10080  }
0x8a: {  	[tilespmem:s23], [sflag:$0x3] =	stream.indirect_vreg.gather [hbm4b:s4+s3], $0x80, v5, vm0, $0xb8;
	[tilespmem:$0x18080] =	vst v63  }
0x8b: {  	s23 =	simm.s32 $0x10880  }
0x8c: {  	[tilespmem:s23], [sflag:$0x3] =	stream.indirect_vreg.gather [hbm4b:s6+s3], $0x80, v5, vm0, $0xb8;
	[tilespmem:$0x18080] =	vst v63  }
0x8d: {  	s23 =	simm.s32 $0x11080  }
0x8e: {  	[tilespmem:s23], [sflag:$0x3] =	stream.indirect_vreg.gather [hbm4b:s7+s3], $0x80, v5, vm0, $0xb8;
	[tilespmem:$0x18080] =	vst v63  }
0x8f: {  	s23 =	simm.s32 $0x11880  }
0x90: {  	[tilespmem:s23], [sflag:$0x3] =	stream.indirect_vreg.gather [hbm4b:s8+s3], $0x80, v5, vm0, $0xb8;
	[tilespmem:$0x18080] =	vst v63  }
0x91: {  	s23 =	simm.s32 $0x12080  }
0x92: {  	[tilespmem:s23], [sflag:$0x3] =	stream.indirect_vreg.gather [hbm4b:s9+s3], $0x80, v5, vm0, $0xb8;
	[tilespmem:$0x18080] =	vst v63  }
0x93: {  	s23 =	simm.s32 $0x12880  }
0x94: {  	[tilespmem:s23], [sflag:$0x3] =	stream.indirect_vreg.gather [hbm4b:s10+s3], $0x80, v5, vm0, $0xb8;
	[tilespmem:$0x18080] =	vst v63  }
0x95: {  	s23 =	simm.s32 $0x13080  }
0x96: {  	[tilespmem:s23], [sflag:$0x3] =	stream.indirect_vreg.gather [hbm4b:s11+s3], $0x80, v5, vm0, $0xb8;
	[tilespmem:$0x18080] =	vst v63  }
0x97: {  	s23 =	simm.s32 $0x13880  }
0x98: {  	[tilespmem:s23], [sflag:$0x3] =	stream.indirect_vreg.gather [hbm4b:s12+s3], $0x80, v5, vm0, $0xb8;
	[tilespmem:$0x18080] =	vst v63  }
0x99: {  	s23 =	simm.s32 $0x14080  }
0x9a: {  	[tilespmem:s23], [sflag:$0x3] =	stream.indirect_vreg.gather [hbm4b:s13+s3], $0x80, v5, vm0, $0xb8;
	[tilespmem:$0x18080] =	vst v63  }
0x9b: {  	s23 =	simm.s32 $0x14880  }
0x9c: {  	[tilespmem:s23], [sflag:$0x3] =	stream.indirect_vreg.gather [hbm4b:s14+s3], $0x80, v5, vm0, $0xb8;
	[tilespmem:$0x18080] =	vst v63  }
0x9d: {  	s23 =	simm.s32 $0x15080  }
0x9e: {  	[tilespmem:s23], [sflag:$0x3] =	stream.indirect_vreg.gather [hbm4b:s21+s3], $0x80, v5, vm0, $0xb8;
	[tilespmem:$0x18080] =	vst v63  }
0x9f: {  	s23 =	simm.s32 $0x15880  }
0xa0: {  	[tilespmem:s23], [sflag:$0x3] =	stream.indirect_vreg.gather [hbm4b:s22+s3], $0x80, v5, vm0, $0xb8;
	[tilespmem:$0x18080] =	vst v63  }
0xa1: {  	s23 =	simm.s32 $0x16080  }
0xa2: {  	[tilespmem:s23], [sflag:$0x3] =	stream.indirect_vreg.gather [hbm4b:s24+s3], $0x80, v5, vm0, $0xb8;
	[tilespmem:$0x18080] =	vst v63  }
0xa3: {  	s23 =	simm.s32 $0x16880  }
0xa4: {  	[tilespmem:s23], [sflag:$0x3] =	stream.indirect_vreg.gather [hbm4b:s25+s3], $0x80, v5, vm0, $0xb8;
	[tilespmem:$0x18080] =	vst v63  }
0xa5: {  	s23 =	simm.s32 $0x17080  }
0xa6: {  	[tilespmem:s23], [sflag:$0x3] =	stream.indirect_vreg.gather [hbm4b:s26+s3], $0x80, v5, vm0, $0xb8;
	[tilespmem:$0x18080] =	vst v63  }
0xa7: {  	s23 =	simm.s32 $0x17880  }
0xa8: {  	[tilespmem:s23], [sflag:$0x3] =	stream.indirect_vreg.gather [hbm4b:s28+s3], $0x80, v5, vm0, $0xb8;
	[tilespmem:$0x18080] =	vst v63  }
0xa9: {  	_ =	swait.ge [sflag:s5], $0x8000  }
0xaa: {  	s30 =	simm.s32 $0x480;
	s4 =	simm.s32 $0x80;
	[sflag:s5] =	ssyncset.done $0x0  }
0xab: {  	s23 =	simm.s32 $0x80;
	[sflag:s5] =	ssyncadd.s32 $0xFFFF8000;
	s5 =	sadd.s32 $0x0, s15  }
.LBB2_2:
0xac: {  	[hbm4b:s5+s0] =	stream.strided.scatter [tilespmem:s23], [sflag:$0x4], $0x400, s29, s0, $0x38;
	[tilespmem:$0x18080] =	vst v63  }
0xad: {  	s5 =	smov.u32 s4;
	s23 =	smov.u32 s30;
	p2 =	sne.s32 s4, $0xF80  }
.Ltmp2:
0xae: {  	s4 =	sadd.s32 $0x80, s4;
	(pc) =	sbr.rel @p2 .LBB2_2-.Ltmp2, $2  }
0xaf: {  	_ =	sdelay $0x2  }
0xb0: {  	s30 =	sadd.s32 $0x400, s30;
	s5 =	sadd.s32 s5, s15  }
0xb1: {  	[hbm4b:s5+s0] =	stream.strided.scatter [tilespmem:s23], [sflag:$0x4], $0x400, s29, s0, $0x38;
	[tilespmem:$0x18080] =	vst v63  }
0xb2: {  	s4 =	simm.s32 $0x3  }
0xb3: {  	_ =	swait.ge [sflag:s4], $0x10  }
0xb4: {  	[sflag:s4] =	ssyncset.done $0x0  }
0xb5: {  	[sflag:s4] =	ssyncadd.s32 $0xFFFFFFF0  }
0xb6: {  	_ =	swait.ge [sflag:s1], $0x8000  }
0xb7: {  	s30 =	simm.s32 $0x80;
	s5 =	sadd.s32 $0x0, s16;
	[sflag:s1] =	ssyncset.done $0x0  }
0xb8: {  	s23 =	simm.s32 $0x8480;
	s4 =	simm.s32 $0x8080;
	[sflag:s1] =	ssyncadd.s32 $0xFFFF8000  }
.LBB2_4:
0xb9: {  	[hbm4b:s5+s0] =	stream.strided.scatter [tilespmem:s4], [sflag:$0x5], $0x400, s29, s0, $0x38;
	[tilespmem:$0x18080] =	vst v63  }
0xba: {  	s5 =	smov.u32 s30;
	s4 =	smov.u32 s23;
	p2 =	sne.s32 s30, $0xF80  }
.Ltmp3:
0xbb: {  	s30 =	sadd.s32 $0x80, s30;
	(pc) =	sbr.rel @p2 .LBB2_4-.Ltmp3, $2  }
0xbc: {  	_ =	sdelay $0x2  }
0xbd: {  	s23 =	sadd.s32 $0x400, s23;
	s5 =	sadd.s32 s5, s16  }
0xbe: {  	[hbm4b:s5+s0] =	stream.strided.scatter [tilespmem:s4], [sflag:$0x5], $0x400, s29, s0, $0x38;
	[tilespmem:$0x18080] =	vst v63  }
0xbf: {  	s5 =	simm.s32 $0x4  }
0xc0: {  	_ =	swait.ge [sflag:s5], $0x8000  }
0xc1: {  	[sflag:s5] =	ssyncset.done $0x0  }
0xc2: {  	[sflag:s5] =	ssyncadd.s32 $0xFFFF8000  }
0xc3: {  	v5 =	vld.msk [tilespmem:$0x18], $0xff;
	_ =	sdelay $0x4  }
0xc4: {  	v6 =	vshll.u32 v5, $0x5  }
0xc5: {  	v5 =	vand.u32 $0x7, v5;
	v6 =	vand.u32 $0xFFFFFF00, v6  }
0xc6: {  	v5 =	vor.u32 v5, v6  }
0xc7: {  	v5 =	vperm.xlane v5, v3;
	_ =	sdelay $0x1  }
0xc8: {  	v5 =	vadd.s32 v4, v5;
	_ =	sdelay $0x3  }
0xc9: {  	s4 =	simm.s32 $0x0;
	s23 =	rddreg [dreg:$0x1]  }
0xca: {  	[tilespmem:s0], [sflag:$0x1] =	stream.indirect_vreg.gather [hbm4b:s23+s4], $0x80, v5, vm0, $0xb8;
	[tilespmem:$0x18080] =	vst v63  }
0xcb: {  	s23 =	simm.s32 $0x880  }
0xcc: {  	[tilespmem:s23], [sflag:$0x1] =	stream.indirect_vreg.gather [hbm4b:s6+s4], $0x80, v5, vm0, $0xb8;
	[tilespmem:$0x18080] =	vst v63  }
0xcd: {  	s23 =	simm.s32 $0x1080  }
0xce: {  	[tilespmem:s23], [sflag:$0x1] =	stream.indirect_vreg.gather [hbm4b:s7+s4], $0x80, v5, vm0, $0xb8;
	[tilespmem:$0x18080] =	vst v63  }
0xcf: {  	s23 =	simm.s32 $0x1880  }
0xd0: {  	[tilespmem:s23], [sflag:$0x1] =	stream.indirect_vreg.gather [hbm4b:s8+s4], $0x80, v5, vm0, $0xb8;
	[tilespmem:$0x18080] =	vst v63  }
0xd1: {  	s23 =	simm.s32 $0x2080  }
0xd2: {  	[tilespmem:s23], [sflag:$0x1] =	stream.indirect_vreg.gather [hbm4b:s9+s4], $0x80, v5, vm0, $0xb8;
	[tilespmem:$0x18080] =	vst v63  }
0xd3: {  	s23 =	simm.s32 $0x2880  }
0xd4: {  	[tilespmem:s23], [sflag:$0x1] =	stream.indirect_vreg.gather [hbm4b:s10+s4], $0x80, v5, vm0, $0xb8;
	[tilespmem:$0x18080] =	vst v63  }
0xd5: {  	s23 =	simm.s32 $0x3080  }
0xd6: {  	[tilespmem:s23], [sflag:$0x1] =	stream.indirect_vreg.gather [hbm4b:s11+s4], $0x80, v5, vm0, $0xb8;
	[tilespmem:$0x18080] =	vst v63  }
0xd7: {  	s23 =	simm.s32 $0x3880  }
0xd8: {  	[tilespmem:s23], [sflag:$0x1] =	stream.indirect_vreg.gather [hbm4b:s12+s4], $0x80, v5, vm0, $0xb8;
	[tilespmem:$0x18080] =	vst v63  }
0xd9: {  	s23 =	simm.s32 $0x4080  }
0xda: {  	[tilespmem:s23], [sflag:$0x1] =	stream.indirect_vreg.gather [hbm4b:s13+s4], $0x80, v5, vm0, $0xb8;
	[tilespmem:$0x18080] =	vst v63  }
0xdb: {  	s23 =	simm.s32 $0x4880  }
0xdc: {  	[tilespmem:s23], [sflag:$0x1] =	stream.indirect_vreg.gather [hbm4b:s14+s4], $0x80, v5, vm0, $0xb8;
	[tilespmem:$0x18080] =	vst v63  }
0xdd: {  	s23 =	simm.s32 $0x5080  }
0xde: {  	[tilespmem:s23], [sflag:$0x1] =	stream.indirect_vreg.gather [hbm4b:s21+s4], $0x80, v5, vm0, $0xb8;
	[tilespmem:$0x18080] =	vst v63  }
0xdf: {  	s23 =	simm.s32 $0x5880  }
0xe0: {  	[tilespmem:s23], [sflag:$0x1] =	stream.indirect_vreg.gather [hbm4b:s22+s4], $0x80, v5, vm0, $0xb8;
	[tilespmem:$0x18080] =	vst v63  }
0xe1: {  	s23 =	simm.s32 $0x6080  }
0xe2: {  	[tilespmem:s23], [sflag:$0x1] =	stream.indirect_vreg.gather [hbm4b:s24+s4], $0x80, v5, vm0, $0xb8;
	[tilespmem:$0x18080] =	vst v63  }
0xe3: {  	s23 =	simm.s32 $0x6880  }
0xe4: {  	[tilespmem:s23], [sflag:$0x1] =	stream.indirect_vreg.gather [hbm4b:s25+s4], $0x80, v5, vm0, $0xb8;
	[tilespmem:$0x18080] =	vst v63  }
0xe5: {  	s23 =	simm.s32 $0x7080  }
0xe6: {  	[tilespmem:s23], [sflag:$0x1] =	stream.indirect_vreg.gather [hbm4b:s26+s4], $0x80, v5, vm0, $0xb8;
	[tilespmem:$0x18080] =	vst v63  }
0xe7: {  	s23 =	simm.s32 $0x7880  }
0xe8: {  	[tilespmem:s23], [sflag:$0x1] =	stream.indirect_vreg.gather [hbm4b:s28+s4], $0x80, v5, vm0, $0xb8;
	[tilespmem:$0x18080] =	vst v63  }
0xe9: {  	s23 =	simm.s32 $0x3  }
0xea: {  	_ =	swait.ge [sflag:s23], $0x8000  }
0xeb: {  	s30 =	simm.s32 $0x80;
	s5 =	sadd.s32 $0x0, s17;
	[sflag:s23] =	ssyncset.done $0x0  }
0xec: {  	s4 =	simm.s32 $0x10080;
	[sflag:s23] =	ssyncadd.s32 $0xFFFF8000;
	s23 =	simm.s32 $0x10480  }
.LBB2_6:
0xed: {  	[hbm4b:s5+s0] =	stream.strided.scatter [tilespmem:s4], [sflag:$0x6], $0x400, s29, s0, $0x38;
	[tilespmem:$0x18080] =	vst v63  }
0xee: {  	s5 =	smov.u32 s30;
	s4 =	smov.u32 s23;
	p2 =	sne.s32 s30, $0xF80  }
.Ltmp4:
0xef: {  	s30 =	sadd.s32 $0x80, s30;
	(pc) =	sbr.rel @p2 .LBB2_6-.Ltmp4, $2  }
0xf0: {  	_ =	sdelay $0x2  }
0xf1: {  	s23 =	sadd.s32 $0x400, s23;
	s5 =	sadd.s32 s5, s17  }
0xf2: {  	[hbm4b:s5+s0] =	stream.strided.scatter [tilespmem:s4], [sflag:$0x6], $0x400, s29, s0, $0x38;
	[tilespmem:$0x18080] =	vst v63  }
0xf3: {  	_ =	swait.ge [sflag:s31], $0x8000  }
0xf4: {  	[sflag:s31] =	ssyncset.done $0x0  }
0xf5: {  	[sflag:s31] =	ssyncadd.s32 $0xFFFF8000  }
0xf6: {  	v5 =	vld.msk [tilespmem:$0x20], $0xff;
	_ =	sdelay $0x4  }
0xf7: {  	v6 =	vshll.u32 v5, $0x5  }
0xf8: {  	v5 =	vand.u32 $0x7, v5;
	v6 =	vand.u32 $0xFFFFFF00, v6  }
0xf9: {  	v5 =	vor.u32 v5, v6  }
0xfa: {  	v5 =	vperm.xlane v5, v3;
	_ =	sdelay $0x1  }
0xfb: {  	v5 =	vadd.s32 v4, v5;
	_ =	sdelay $0x3  }
0xfc: {  	s4 =	simm.s32 $0x0;
	s23 =	simm.s32 $0x8080;
	s5 =	rddreg [dreg:$0x1]  }
0xfd: {  	[tilespmem:s23], [sflag:$0x2] =	stream.indirect_vreg.gather [hbm4b:s5+s4], $0x80, v5, vm0, $0xb8;
	[tilespmem:$0x18080] =	vst v63  }
0xfe: {  	s23 =	simm.s32 $0x8880  }
0xff: {  	[tilespmem:s23], [sflag:$0x2] =	stream.indirect_vreg.gather [hbm4b:s6+s4], $0x80, v5, vm0, $0xb8;
	[tilespmem:$0x18080] =	vst v63  }
0x100: {  	s23 =	simm.s32 $0x9080  }
0x101: {  	[tilespmem:s23], [sflag:$0x2] =	stream.indirect_vreg.gather [hbm4b:s7+s4], $0x80, v5, vm0, $0xb8;
	[tilespmem:$0x18080] =	vst v63  }
0x102: {  	s23 =	simm.s32 $0x9880  }
0x103: {  	[tilespmem:s23], [sflag:$0x2] =	stream.indirect_vreg.gather [hbm4b:s8+s4], $0x80, v5, vm0, $0xb8;
	[tilespmem:$0x18080] =	vst v63  }
0x104: {  	s23 =	simm.s32 $0xA080  }
0x105: {  	[tilespmem:s23], [sflag:$0x2] =	stream.indirect_vreg.gather [hbm4b:s9+s4], $0x80, v5, vm0, $0xb8;
	[tilespmem:$0x18080] =	vst v63  }
0x106: {  	s23 =	simm.s32 $0xA880  }
0x107: {  	[tilespmem:s23], [sflag:$0x2] =	stream.indirect_vreg.gather [hbm4b:s10+s4], $0x80, v5, vm0, $0xb8;
	[tilespmem:$0x18080] =	vst v63  }
0x108: {  	s23 =	simm.s32 $0xB080  }
0x109: {  	[tilespmem:s23], [sflag:$0x2] =	stream.indirect_vreg.gather [hbm4b:s11+s4], $0x80, v5, vm0, $0xb8;
	[tilespmem:$0x18080] =	vst v63  }
0x10a: {  	s23 =	simm.s32 $0xB880  }
0x10b: {  	[tilespmem:s23], [sflag:$0x2] =	stream.indirect_vreg.gather [hbm4b:s12+s4], $0x80, v5, vm0, $0xb8;
	[tilespmem:$0x18080] =	vst v63  }
0x10c: {  	s23 =	simm.s32 $0xC080  }
0x10d: {  	[tilespmem:s23], [sflag:$0x2] =	stream.indirect_vreg.gather [hbm4b:s13+s4], $0x80, v5, vm0, $0xb8;
	[tilespmem:$0x18080] =	vst v63  }
0x10e: {  	s23 =	simm.s32 $0xC880  }
0x10f: {  	[tilespmem:s23], [sflag:$0x2] =	stream.indirect_vreg.gather [hbm4b:s14+s4], $0x80, v5, vm0, $0xb8;
	[tilespmem:$0x18080] =	vst v63  }
0x110: {  	s23 =	simm.s32 $0xD080  }
0x111: {  	[tilespmem:s23], [sflag:$0x2] =	stream.indirect_vreg.gather [hbm4b:s21+s4], $0x80, v5, vm0, $0xb8;
	[tilespmem:$0x18080] =	vst v63  }
0x112: {  	s23 =	simm.s32 $0xD880  }
0x113: {  	[tilespmem:s23], [sflag:$0x2] =	stream.indirect_vreg.gather [hbm4b:s22+s4], $0x80, v5, vm0, $0xb8;
	[tilespmem:$0x18080] =	vst v63  }
0x114: {  	s23 =	simm.s32 $0xE080  }
0x115: {  	[tilespmem:s23], [sflag:$0x2] =	stream.indirect_vreg.gather [hbm4b:s24+s4], $0x80, v5, vm0, $0xb8;
	[tilespmem:$0x18080] =	vst v63  }
0x116: {  	s23 =	simm.s32 $0xE880  }
0x117: {  	[tilespmem:s23], [sflag:$0x2] =	stream.indirect_vreg.gather [hbm4b:s25+s4], $0x80, v5, vm0, $0xb8;
	[tilespmem:$0x18080] =	vst v63  }
0x118: {  	s23 =	simm.s32 $0xF080  }
0x119: {  	[tilespmem:s23], [sflag:$0x2] =	stream.indirect_vreg.gather [hbm4b:s26+s4], $0x80, v5, vm0, $0xb8;
	[tilespmem:$0x18080] =	vst v63  }
0x11a: {  	s23 =	simm.s32 $0xF880  }
0x11b: {  	[tilespmem:s23], [sflag:$0x2] =	stream.indirect_vreg.gather [hbm4b:s28+s4], $0x80, v5, vm0, $0xb8;
	[tilespmem:$0x18080] =	vst v63  }
0x11c: {  	s23 =	simm.s32 $0x1  }
0x11d: {  	_ =	swait.ge [sflag:s23], $0x8000  }
0x11e: {  	s30 =	simm.s32 $0x80;
	s5 =	sadd.s32 $0x0, s18;
	[sflag:s23] =	ssyncset.done $0x0  }
0x11f: {  	s4 =	simm.s32 $0x80;
	[sflag:s23] =	ssyncadd.s32 $0xFFFF8000;
	s23 =	simm.s32 $0x480  }
.LBB2_8:
0x120: {  	[hbm4b:s5+s0] =	stream.strided.scatter [tilespmem:s4], [sflag:$0x4], $0x400, s29, s0, $0x38;
	[tilespmem:$0x18080] =	vst v63  }
0x121: {  	s5 =	smov.u32 s30;
	s4 =	smov.u32 s23;
	p2 =	sne.s32 s30, $0xF80  }
.Ltmp5:
0x122: {  	s30 =	sadd.s32 $0x80, s30;
	(pc) =	sbr.rel @p2 .LBB2_8-.Ltmp5, $2  }
0x123: {  	_ =	sdelay $0x2  }
0x124: {  	s23 =	sadd.s32 $0x400, s23;
	s5 =	sadd.s32 s5, s18  }
.Ltmp6:
0x125: {  	(pc) =	sbr.rel @p0 .LBB2_13-.Ltmp6, $4  }
0x126: {  	[hbm4b:s5+s0] =	stream.strided.scatter [tilespmem:s4], [sflag:$0x4], $0x400, s29, s0, $0x38;
	[tilespmem:$0x18080] =	vst v63  }
0x127: {  	_ =	swait.ge [sflag:s1], $0x8000  }
0x128: {  	[sflag:s1] =	ssyncset.done $0x0  }
0x129: {  	[sflag:s1] =	ssyncadd.s32 $0xFFFF8000  }
0x12a: {  	s4 =	simm.s32 $0x8080  }
0x12b: {  	s30 =	simm.s32 $0x80;
	s5 =	sadd.s32 $0x0, s19;
	s23 =	simm.s32 $0x8480  }
.LBB2_11:
0x12c: {  	[hbm4b:s5+s0] =	stream.strided.scatter [tilespmem:s4], [sflag:$0x5], $0x400, s29, s0, $0x38;
	[tilespmem:$0x18080] =	vst v63  }
0x12d: {  	s5 =	smov.u32 s30;
	s4 =	smov.u32 s23;
	p2 =	sne.s32 s30, $0xF80  }
.Ltmp7:
0x12e: {  	s30 =	sadd.s32 $0x80, s30;
	(pc) =	sbr.rel @p2 .LBB2_11-.Ltmp7, $2  }
0x12f: {  	_ =	sdelay $0x2  }
0x130: {  	s23 =	sadd.s32 $0x400, s23;
	s5 =	sadd.s32 s5, s19  }
.Ltmp8:
0x131: {  	(pc) =	sbr.rel @p1 .LBB2_16-.Ltmp8, $4  }
0x132: {  	[hbm4b:s5+s0] =	stream.strided.scatter [tilespmem:s4], [sflag:$0x5], $0x400, s29, s0, $0x38;
	[tilespmem:$0x18080] =	vst v63  }
0x133: {  	_ =	swait.ge [sflag:s31], $0x8000  }
0x134: {  	[sflag:s31] =	ssyncset.done $0x0  }
0x135: {  	[sflag:s31] =	ssyncadd.s32 $0xFFFF8000  }
.LBB2_13:
0x136: {  	s4 =	simm.s32 $0x8080  }
0x137: {  	s30 =	simm.s32 $0x80;
	s5 =	sadd.s32 $0x0, s20;
	s23 =	simm.s32 $0x8480  }
.LBB2_14:
0x138: {  	[hbm4b:s5+s0] =	stream.strided.scatter [tilespmem:s4], [sflag:$0x5], $0x280, s29, s0, $0x38;
	[tilespmem:$0x18080] =	vst v63  }
0x139: {  	s5 =	smov.u32 s30;
	s4 =	smov.u32 s23;
	p2 =	sne.s32 s30, $0xF80  }
.Ltmp9:
0x13a: {  	s30 =	sadd.s32 $0x80, s30;
	(pc) =	sbr.rel @p2 .LBB2_14-.Ltmp9, $2  }
0x13b: {  	_ =	sdelay $0x2  }
0x13c: {  	s23 =	sadd.s32 $0x400, s23;
	s5 =	sadd.s32 s5, s20  }
.Ltmp10:
0x13d: {  	_ = 	snop;
	(pc) =	sbr.rel .LBB2_15-.Ltmp10, $1  }
0x13e: {  	_ =	sdelay $0x3  }
.LBB2_17:
0x13f: {  	_ =	sfence.sel $0x180000  }
0x140: {  	[bflag:$0x0] =	sbarrier.arrive $0xFFFF  }
0x141: {  	_ =	strace $0x90000047  }
0x142: {  	s0 =	stileid.u32;
	[bflag:$0x2] =	sbarrier.arrive $0xFFFF  }
0x143: {  	p0 =	sne.s32 s0, $0x0;
	s0 =	rddreg [dreg:$0x3]  }
0x144: {  	s0 =	sadd.s32 @!p0 $0x100000, s0  }
0x145: {  	[sflag:s0] =	ssyncadd.tile.s32 @!p0 $0x1;
	_ =	shalt  }
.Lfunc_end2:
_tile_overlayer_lowered:
.L_overlay_start_2:
0x146: {  	(tag) =	ssettag $0x2  }
0x147: {  	s0 =	rddreg [dreg:$0x0];
	s2 =	stileid.u32  }
0x148: {  	s1 =	rddreg [dreg:$0x1];
	p0 =	sne.s32 s2, $0x0  }
0x149: {  	s3 =	rddreg [dreg:$0x2];
	[bflag:$0x3] =	sbarrier.arrive $0xFFFF;
	s2 =	simm.s32 @!p0 $0x1C07  }
0x14a: {  	[timem:s3], [sflag:s2] =	dma.local @!p0 [hbm:s0], s1  }
0x14b: {  	s0 =	simm.s32 @!p0 $0x7  }
0x14c: {  	_ =	swait.ge @!p0 [sflag:s0], s1  }
0x14d: {  	s1 =	ssub.s32 @!p0 $0x0, s1;
	[sflag:s0] =	ssyncset.done @!p0 $0x0  }
0x14e: {  	[sflag:s0] =	ssyncadd.s32 @!p0 s1  }
0x14f: {  	[bflag:$0x3] =	sbarrier.arrive $0xFFFF  }
0x150: {  	_ =	shalt  }

</sc_bundles>
